<compile_context>
chip_gen: v7x
topology: tpu7x:2x2x1
jax: 0.10.2.dev20260603
libtpu: 0.0.44.dev20260713+nightly
codegen_flags: <defaults>
</compile_context>

<pallas_src>
import jax
import jax.numpy as jnp
from jax import lax
from jax.experimental import pallas as pl
from jax.experimental.pallas import tpu as pltpu
from jax.experimental.pallas import tpu_sc as plsc

NUM_ROUTED_E = 8
NUM_GROUPS = 9
HIDDEN_D = 768
FFN_D = 1024
TOKENS_N = 2048
BLK = 256
NBLK = TOKENS_N // BLK + NUM_GROUPS - 1
NP = NBLK * BLK
ROWS_R = 16
COLS_C = 128
CHUNK = 64
HALF = CHUNK // 2
WSW = 128


def _route_body(eid_ref, pos_ref, bexp_ref):
    e2 = eid_ref[...]
    col = lax.broadcasted_iota(jnp.int32, (COLS_C, COLS_C), 0)
    row = lax.broadcasted_iota(jnp.int32, (COLS_C, COLS_C), 1)
    upper_c = jnp.where(col < row, 1.0, 0.0)
    colr = lax.broadcasted_iota(jnp.int32, (ROWS_R, ROWS_R), 0)
    rowr = lax.broadcasted_iota(jnp.int32, (ROWS_R, ROWS_R), 1)
    lower_r = jnp.where(rowr < colr, 1.0, 0.0)

    pos = jnp.zeros((ROWS_R, COLS_C), jnp.float32)
    pstart = jnp.float32(0.0)
    pstarts = []
    for g in range(NUM_GROUPS):
        if g < NUM_ROUTED_E:
            m = jnp.where(e2 == g, 1.0, 0.0)
        else:
            m = jnp.where(e2 >= NUM_ROUTED_E, 1.0, 0.0)
        wpref = lax.dot_general(m, upper_c, (((1,), (0,)), ((), ())),
                                preferred_element_type=jnp.float32)
        s = jnp.sum(m, axis=1, keepdims=True)
        rp = lax.dot_general(lower_r, s, (((1,), (0,)), ((), ())),
                             preferred_element_type=jnp.float32)
        rank = rp + wpref
        pstarts.append(pstart)
        pos = pos + m * (pstart + rank)
        cnt_i = jnp.sum(s).astype(jnp.int32)
        pcnt = ((cnt_i + BLK - 1) & ~(BLK - 1)).astype(jnp.float32)
        pstart = pstart + pcnt

    pos_ref[...] = pos.astype(jnp.int32)

    bv = (lax.broadcasted_iota(jnp.int32, (1, COLS_C), 1) * BLK
          ).astype(jnp.float32)
    ge = jnp.zeros((1, COLS_C), jnp.float32)
    for g in range(NUM_GROUPS):
        ge = ge + jnp.where(bv >= pstarts[g], 1.0, 0.0)
    ge = ge + jnp.where(bv >= pstart, 1.0, 0.0)
    bexp_ref[...] = (ge - 1.0).astype(jnp.int32)


def _sc_scatter_body(x_hbm, wt16_hbm, pos_hbm, xs_hbm, ws_hbm,
                     idx0, idx1, rows0, rows1, wrow0, wrow1,
                     sem_a, sem_b, sem_w):
    wid = lax.axis_index("s") * 2 + lax.axis_index("c")
    base = wid * CHUNK
    cx0 = pltpu.async_copy(x_hbm.at[pl.ds(base, HALF)], rows0, sem_a)
    cx1 = pltpu.async_copy(x_hbm.at[pl.ds(base + HALF, HALF)], rows1, sem_b)
    cw0 = pltpu.async_copy(wt16_hbm.at[pl.ds(base, HALF)], wrow0, sem_w)
    cw1 = pltpu.async_copy(wt16_hbm.at[pl.ds(base + HALF, HALF)], wrow1,
                           sem_w)
    pltpu.sync_copy(pos_hbm.at[pl.ds(base, HALF)], idx0)
    pltpu.sync_copy(pos_hbm.at[pl.ds(base + HALF, HALF)], idx1)
    cx0.wait()
    sx0 = pltpu.async_copy(rows0, xs_hbm.at[idx0], sem_a)
    cx1.wait()
    sx1 = pltpu.async_copy(rows1, xs_hbm.at[idx1], sem_b)
    cw0.wait()
    cw1.wait()
    sw0 = pltpu.async_copy(wrow0, ws_hbm.at[idx0], sem_w)
    sw1 = pltpu.async_copy(wrow1, ws_hbm.at[idx1], sem_w)
    sx0.wait()
    sx1.wait()
    sw0.wait()
    sw1.wait()


def _sc_gather_body(ys_hbm, pos_hbm, g_hbm, idx0, idx1, rows0, rows1,
                    sem_a, sem_b):
    wid = lax.axis_index("s") * 2 + lax.axis_index("c")
    base = wid * CHUNK
    pltpu.sync_copy(pos_hbm.at[pl.ds(base, HALF)], idx0)
    g0 = pltpu.async_copy(ys_hbm.at[idx0], rows0, sem_a)
    pltpu.sync_copy(pos_hbm.at[pl.ds(base + HALF, HALF)], idx1)
    g1 = pltpu.async_copy(ys_hbm.at[idx1], rows1, sem_b)
    g0.wait()
    s0 = pltpu.async_copy(rows0, g_hbm.at[pl.ds(base, HALF)], sem_a)
    g1.wait()
    s1 = pltpu.async_copy(rows1, g_hbm.at[pl.ds(base + HALF, HALF)], sem_b)
    s0.wait()
    s1.wait()


def _ffn_body(bexp_ref, xs_ref, ws_ref, gupg_ref, gupu_ref, dwn_ref, ys_ref):
    e = bexp_ref[pl.program_id(0)]
    ws1 = ws_ref[:, :1]

    @pl.when(e < NUM_ROUTED_E)
    def _routed():
        g = lax.dot_general(xs_ref[...], gupg_ref[0],
                            (((1,), (1,)), ((), ())),
                            preferred_element_type=jnp.float32)
        u = lax.dot_general(xs_ref[...], gupu_ref[0],
                            (((1,), (1,)), ((), ())),
                            preferred_element_type=jnp.float32)
        h = g * jax.nn.sigmoid(g) * u
        y = lax.dot_general(h, dwn_ref[0], (((1,), (1,)), ((), ())),
                            preferred_element_type=jnp.float32)
        ys_ref[...] = ws1 * y

    @pl.when(e >= NUM_ROUTED_E)
    def _identity():
        ys_ref[...] = ws1 * xs_ref[...]


def _ffn_call(bexp, xs, ws, gate_up_proj, down_proj):
    def _blk(b, be):
        return jnp.where(be[b] > NUM_ROUTED_E, NBLK - 1, b)

    def _exp(b, be):
        return jnp.minimum(be[b], 7)

    return pl.pallas_call(
        _ffn_body,
        grid_spec=pltpu.PrefetchScalarGridSpec(
            num_scalar_prefetch=1,
            grid=(NBLK,),
            in_specs=[
                pl.BlockSpec((BLK, HIDDEN_D), lambda b, be: (_blk(b, be), 0)),
                pl.BlockSpec((BLK, WSW), lambda b, be: (_blk(b, be), 0)),
                pl.BlockSpec((1, FFN_D, HIDDEN_D),
                             lambda b, be: (_exp(b, be), 0, 0)),
                pl.BlockSpec((1, FFN_D, HIDDEN_D),
                             lambda b, be: (_exp(b, be), 1, 0)),
                pl.BlockSpec((1, HIDDEN_D, FFN_D),
                             lambda b, be: (_exp(b, be), 0, 0)),
            ],
            out_specs=pl.BlockSpec((BLK, HIDDEN_D),
                                   lambda b, be: (_blk(b, be), 0)),
        ),
        out_shape=jax.ShapeDtypeStruct((NP, HIDDEN_D), jnp.float32),
        compiler_params=pltpu.CompilerParams(
            dimension_semantics=("arbitrary",),
        ),
    )(bexp, xs, ws, gate_up_proj, gate_up_proj, down_proj)


def kernel(hidden_states, top_k_index, top_k_weights, gate_up_proj, down_proj):
    T, H = hidden_states.shape
    e2 = top_k_index.reshape(ROWS_R, COLS_C)

    pos2, bexp2 = pl.pallas_call(
        _route_body,
        out_shape=(
            jax.ShapeDtypeStruct((ROWS_R, COLS_C), jnp.int32),
            jax.ShapeDtypeStruct((1, COLS_C), jnp.int32),
        ),
    )(e2)
    pos = pos2.reshape(T)
    bexp = bexp2.reshape(COLS_C)

    scmesh = plsc.VectorSubcoreMesh(core_axis_name="c", subcore_axis_name="s")

    wt16 = jnp.tile(top_k_weights, (1, WSW))

    xs, ws = pl.kernel(
        _sc_scatter_body,
        out_type=(
            jax.ShapeDtypeStruct((NP, H), jnp.float32),
            jax.ShapeDtypeStruct((NP, WSW), jnp.float32),
        ),
        mesh=scmesh,
        scratch_types=[
            pltpu.VMEM((HALF,), jnp.int32),
            pltpu.VMEM((HALF,), jnp.int32),
            pltpu.VMEM((HALF, H), jnp.float32),
            pltpu.VMEM((HALF, H), jnp.float32),
            pltpu.VMEM((HALF, WSW), jnp.float32),
            pltpu.VMEM((HALF, WSW), jnp.float32),
            pltpu.SemaphoreType.DMA,
            pltpu.SemaphoreType.DMA,
            pltpu.SemaphoreType.DMA,
        ],
    )(hidden_states, wt16, pos)

    ys = _ffn_call(bexp, xs, ws, gate_up_proj, down_proj)

    out = pl.kernel(
        _sc_gather_body,
        out_type=jax.ShapeDtypeStruct((T, H), jnp.float32),
        mesh=scmesh,
        scratch_types=[
            pltpu.VMEM((HALF,), jnp.int32),
            pltpu.VMEM((HALF,), jnp.int32),
            pltpu.VMEM((HALF, H), jnp.float32),
            pltpu.VMEM((HALF, H), jnp.float32),
            pltpu.SemaphoreType.DMA,
            pltpu.SemaphoreType.DMA,
        ],
    )(ys, pos)
    return out

# --- scband reference (transcript-rebuilt; emitter-appended) ---
"""Pipeline reference for scband-longcat-flash-experts-43954695308102 (READ-ONLY COPY).

The authoritative reference and input builder live on the scoring server;
editing this copy changes nothing except your own understanding.
"""

import jax, jax.numpy as jnp
import numpy as np

NUM_ROUTED = 8
ZERO_EXPERTS = 8
TOTAL_EXPERTS = NUM_ROUTED + ZERO_EXPERTS
HIDDEN = 768
FFN = 1024
TOKENS = 2048
TOPK = 1


def setup_inputs(seed: int = 0) -> dict:
    key = jax.random.key(seed)
    k1, k2, k3, k4, k5 = jax.random.split(key, 5)
    hidden_states = jax.random.normal(k1, (TOKENS, HIDDEN), dtype=jnp.float32)
    top_k_index = jax.random.randint(k2, (TOKENS, TOPK), 0, TOTAL_EXPERTS, dtype=jnp.int32)
    top_k_weights = jax.random.uniform(k3, (TOKENS, TOPK), dtype=jnp.float32)
    gate_up_proj = jax.random.normal(k4, (TOTAL_EXPERTS, 2 * FFN, HIDDEN), dtype=jnp.float32) * 0.02
    down_proj = jax.random.normal(k5, (NUM_ROUTED, HIDDEN, FFN), dtype=jnp.float32) * 0.02
    return {
        "hidden_states": hidden_states,
        "top_k_index": top_k_index,
        "top_k_weights": top_k_weights,
        "gate_up_proj": gate_up_proj,
        "down_proj": down_proj,
    }


def reference(hidden_states, top_k_index, top_k_weights, gate_up_proj, down_proj):
    # per-token per-expert combine weight: w[t, e] = sum_k top_k_weights[t, k] * 1[top_k_index[t,k] == e]
    onehot = jax.nn.one_hot(top_k_index, TOTAL_EXPERTS, dtype=hidden_states.dtype)  # [T, K, E]
    w = jnp.einsum('tke,tk->te', onehot, top_k_weights)  # [T, E]

    out = jnp.zeros_like(hidden_states)
    # routed experts: SwiGLU MLP per expert, masked-combined (math identical to torch scatter loop)
    for e in range(NUM_ROUTED):
        gu = hidden_states @ gate_up_proj[e].T  # [T, 2*FFN]
        gate, up = jnp.split(gu, 2, axis=-1)
        h = jax.nn.silu(gate) * up
        h = h @ down_proj[e].T  # [T, HIDDEN]
        out = out + w[:, e:e + 1] * h
    # zero experts: identity passthrough scaled by routing weight
    w_zero = jnp.sum(w[:, NUM_ROUTED:], axis=1, keepdims=True)
    out = out + w_zero * hidden_states
    return out

if __name__ == "__main__":
    import jax
    _d = setup_inputs()
    print(jax.jit(kernel)(*tuple(_d.values())))

</pallas_src>

<mosaic_0001>
#map = affine_map<(d0, d1) -> (0, 0)>
#map1 = affine_map<(d0, d1) -> (0)>
module attributes {stable_mosaic.version = 14 : i64} {
  func.func @_sc_scatter_body(%arg0: i32, %arg1: i32, %arg2: memref<2048x768xf32, #tpu.memory_space<hbm>>, %arg3: memref<2048x128xf32, #tpu.memory_space<hbm>>, %arg4: memref<2048xi32, #tpu.memory_space<hbm>>, %arg5: memref<4096x768xf32, #tpu.memory_space<hbm>>, %arg6: memref<4096x128xf32, #tpu.memory_space<hbm>>, %arg7: memref<32xi32, #tpu.memory_space<vmem>>, %arg8: memref<32xi32, #tpu.memory_space<vmem>>, %arg9: memref<32x768xf32, #tpu.memory_space<vmem>>, %arg10: memref<32x768xf32, #tpu.memory_space<vmem>>, %arg11: memref<32x128xf32, #tpu.memory_space<vmem>>, %arg12: memref<32x128xf32, #tpu.memory_space<vmem>>, %arg13: memref<!tpu.dma_semaphore, #tpu.memory_space<semaphore_mem>>, %arg14: memref<!tpu.dma_semaphore, #tpu.memory_space<semaphore_mem>>, %arg15: memref<!tpu.dma_semaphore, #tpu.memory_space<semaphore_mem>>) attributes {dimension_semantics = [#tpu.dimension_semantics<core_parallel>, #tpu.dimension_semantics<subcore_parallel>], iteration_bounds = array<i64: 2, 16>, scalar_prefetch = 0 : i64, scratch_operands = 9 : i64, tpu.core_type = #tpu.core_type<sc_vector_subcore>, window_params = [{transform_indices = #map}, {transform_indices = #map}, {transform_indices = #map1}, {transform_indices = #map}, {transform_indices = #map}]} {
    %mul3A = arith.constant 2 : i32
    %mul3A_0 = arith.muli %arg1, %mul3A : i32
    %add3A = arith.addi %mul3A_0, %arg0 : i32
    %mul3A_1 = arith.constant 64 : i32
    %mul3A_2 = arith.muli %add3A, %mul3A_1 : i32
    %dma_start3A = arith.constant 0 : i32
    %dma_start3A_3 = tpu.memref_slice %arg2[%mul3A_2, %dma_start3A] : memref<2048x768xf32, #tpu.memory_space<hbm>> -> memref<32x768xf32, #tpu.memory_space<hbm>>
    %dma_start3A_4 = arith.constant 0 : i32
    %dma_start3A_5 = tpu.memref_slice %arg2[%mul3A_2, %dma_start3A_4] : memref<2048x768xf32, #tpu.memory_space<hbm>> -> memref<32x768xf32, #tpu.memory_space<hbm>>
    tpu.enqueue_dma source(%dma_start3A_5 : memref<32x768xf32, #tpu.memory_space<hbm>>) target(%arg9 : memref<32x768xf32, #tpu.memory_space<vmem>>) target_semaphore(%arg13 : memref<!tpu.dma_semaphore, #tpu.memory_space<semaphore_mem>>)
    %add3A_6 = arith.constant 32 : i32
    %add3A_7 = arith.addi %mul3A_2, %add3A_6 : i32
    %dma_start3A_8 = arith.constant 0 : i32
    %dma_start3A_9 = tpu.memref_slice %arg2[%add3A_7, %dma_start3A_8] : memref<2048x768xf32, #tpu.memory_space<hbm>> -> memref<32x768xf32, #tpu.memory_space<hbm>>
    %dma_start3A_10 = arith.constant 0 : i32
    %dma_start3A_11 = tpu.memref_slice %arg2[%add3A_7, %dma_start3A_10] : memref<2048x768xf32, #tpu.memory_space<hbm>> -> memref<32x768xf32, #tpu.memory_space<hbm>>
    tpu.enqueue_dma source(%dma_start3A_11 : memref<32x768xf32, #tpu.memory_space<hbm>>) target(%arg10 : memref<32x768xf32, #tpu.memory_space<vmem>>) target_semaphore(%arg14 : memref<!tpu.dma_semaphore, #tpu.memory_space<semaphore_mem>>)
    %dma_start3A_12 = arith.constant 0 : i32
    %dma_start3A_13 = tpu.memref_slice %arg3[%mul3A_2, %dma_start3A_12] : memref<2048x128xf32, #tpu.memory_space<hbm>> -> memref<32x128xf32, #tpu.memory_space<hbm>>
    %dma_start3A_14 = arith.constant 0 : i32
    %dma_start3A_15 = tpu.memref_slice %arg3[%mul3A_2, %dma_start3A_14] : memref<2048x128xf32, #tpu.memory_space<hbm>> -> memref<32x128xf32, #tpu.memory_space<hbm>>
    tpu.enqueue_dma source(%dma_start3A_15 : memref<32x128xf32, #tpu.memory_space<hbm>>) target(%arg11 : memref<32x128xf32, #tpu.memory_space<vmem>>) target_semaphore(%arg15 : memref<!tpu.dma_semaphore, #tpu.memory_space<semaphore_mem>>)
    %add3A_16 = arith.constant 32 : i32
    %add3A_17 = arith.addi %mul3A_2, %add3A_16 : i32
    %dma_start3A_18 = arith.constant 0 : i32
    %dma_start3A_19 = tpu.memref_slice %arg3[%add3A_17, %dma_start3A_18] : memref<2048x128xf32, #tpu.memory_space<hbm>> -> memref<32x128xf32, #tpu.memory_space<hbm>>
    %dma_start3A_20 = arith.constant 0 : i32
    %dma_start3A_21 = tpu.memref_slice %arg3[%add3A_17, %dma_start3A_20] : memref<2048x128xf32, #tpu.memory_space<hbm>> -> memref<32x128xf32, #tpu.memory_space<hbm>>
    tpu.enqueue_dma source(%dma_start3A_21 : memref<32x128xf32, #tpu.memory_space<hbm>>) target(%arg12 : memref<32x128xf32, #tpu.memory_space<vmem>>) target_semaphore(%arg15 : memref<!tpu.dma_semaphore, #tpu.memory_space<semaphore_mem>>)
    "tpu.region"() ({
      %run_scoped3A = tpu.sem_alloc : memref<!tpu.dma_semaphore, #tpu.memory_space<semaphore_mem>>
      %dma_start3A_63 = tpu.memref_slice %arg4[%mul3A_2] : memref<2048xi32, #tpu.memory_space<hbm>> -> memref<32xi32, #tpu.memory_space<hbm>>
      %dma_start3A_64 = tpu.memref_slice %arg4[%mul3A_2] : memref<2048xi32, #tpu.memory_space<hbm>> -> memref<32xi32, #tpu.memory_space<hbm>>
      tpu.enqueue_dma source(%dma_start3A_64 : memref<32xi32, #tpu.memory_space<hbm>>) target(%arg7 : memref<32xi32, #tpu.memory_space<vmem>>) target_semaphore(%run_scoped3A : memref<!tpu.dma_semaphore, #tpu.memory_space<semaphore_mem>>)
      %dma_wait3A_65 = tpu.memref_slice %arg4[%mul3A_2] : memref<2048xi32, #tpu.memory_space<hbm>> -> memref<32xi32, #tpu.memory_space<hbm>>
      %dma_wait3A_66 = tpu.memref_slice %arg4[%mul3A_2] : memref<2048xi32, #tpu.memory_space<hbm>> -> memref<32xi32, #tpu.memory_space<hbm>>
      tpu.wait_dma2 semaphore(%run_scoped3A : memref<!tpu.dma_semaphore, #tpu.memory_space<semaphore_mem>>) src(%dma_wait3A_66 : memref<32xi32, #tpu.memory_space<hbm>>) dst(%arg7 : memref<32xi32, #tpu.memory_space<vmem>>)
      tpu.yield
    }) : () -> ()
    %add3A_22 = arith.constant 32 : i32
    %add3A_23 = arith.addi %mul3A_2, %add3A_22 : i32
    "tpu.region"() ({
      %run_scoped3A = tpu.sem_alloc : memref<!tpu.dma_semaphore, #tpu.memory_space<semaphore_mem>>
      %dma_start3A_63 = tpu.memref_slice %arg4[%add3A_23] : memref<2048xi32, #tpu.memory_space<hbm>> -> memref<32xi32, #tpu.memory_space<hbm>>
      %dma_start3A_64 = tpu.memref_slice %arg4[%add3A_23] : memref<2048xi32, #tpu.memory_space<hbm>> -> memref<32xi32, #tpu.memory_space<hbm>>
      tpu.enqueue_dma source(%dma_start3A_64 : memref<32xi32, #tpu.memory_space<hbm>>) target(%arg8 : memref<32xi32, #tpu.memory_space<vmem>>) target_semaphore(%run_scoped3A : memref<!tpu.dma_semaphore, #tpu.memory_space<semaphore_mem>>)
      %dma_wait3A_65 = tpu.memref_slice %arg4[%add3A_23] : memref<2048xi32, #tpu.memory_space<hbm>> -> memref<32xi32, #tpu.memory_space<hbm>>
      %dma_wait3A_66 = tpu.memref_slice %arg4[%add3A_23] : memref<2048xi32, #tpu.memory_space<hbm>> -> memref<32xi32, #tpu.memory_space<hbm>>
      tpu.wait_dma2 semaphore(%run_scoped3A : memref<!tpu.dma_semaphore, #tpu.memory_space<semaphore_mem>>) src(%dma_wait3A_66 : memref<32xi32, #tpu.memory_space<hbm>>) dst(%arg8 : memref<32xi32, #tpu.memory_space<vmem>>)
      tpu.yield
    }) : () -> ()
    %dma_wait3A = arith.constant 0 : i32
    %dma_wait3A_24 = tpu.memref_slice %arg2[%mul3A_2, %dma_wait3A] : memref<2048x768xf32, #tpu.memory_space<hbm>> -> memref<32x768xf32, #tpu.memory_space<hbm>>
    %dma_wait3A_25 = arith.constant 0 : i32
    %dma_wait3A_26 = tpu.memref_slice %arg2[%mul3A_2, %dma_wait3A_25] : memref<2048x768xf32, #tpu.memory_space<hbm>> -> memref<32x768xf32, #tpu.memory_space<hbm>>
    tpu.wait_dma2 semaphore(%arg13 : memref<!tpu.dma_semaphore, #tpu.memory_space<semaphore_mem>>) src(%dma_wait3A_26 : memref<32x768xf32, #tpu.memory_space<hbm>>) dst(%arg9 : memref<32x768xf32, #tpu.memory_space<vmem>>)
    %dma_start3A_27 = arith.constant 0 : i32
    %dma_start3A_28 = arith.constant 0 : i32
    %dma_start3A_29 = tpu.memref_slice %arg5[%dma_start3A_27, %dma_start3A_28] : memref<4096x768xf32, #tpu.memory_space<hbm>> -> memref<4096x768xf32, #tpu.memory_space<hbm>>
    tpu.enqueue_indirect_dma source(%arg9 : memref<32x768xf32, #tpu.memory_space<vmem>>) target(%dma_start3A_29 : memref<4096x768xf32, #tpu.memory_space<hbm>>) offsets(%arg7 : memref<32xi32, #tpu.memory_space<vmem>>) semaphore(%arg13 : memref<!tpu.dma_semaphore, #tpu.memory_space<semaphore_mem>>)
    %dma_wait3A_30 = arith.constant 0 : i32
    %dma_wait3A_31 = tpu.memref_slice %arg2[%add3A_7, %dma_wait3A_30] : memref<2048x768xf32, #tpu.memory_space<hbm>> -> memref<32x768xf32, #tpu.memory_space<hbm>>
    %dma_wait3A_32 = arith.constant 0 : i32
    %dma_wait3A_33 = tpu.memref_slice %arg2[%add3A_7, %dma_wait3A_32] : memref<2048x768xf32, #tpu.memory_space<hbm>> -> memref<32x768xf32, #tpu.memory_space<hbm>>
    tpu.wait_dma2 semaphore(%arg14 : memref<!tpu.dma_semaphore, #tpu.memory_space<semaphore_mem>>) src(%dma_wait3A_33 : memref<32x768xf32, #tpu.memory_space<hbm>>) dst(%arg10 : memref<32x768xf32, #tpu.memory_space<vmem>>)
    %dma_start3A_34 = arith.constant 0 : i32
    %dma_start3A_35 = arith.constant 0 : i32
    %dma_start3A_36 = tpu.memref_slice %arg5[%dma_start3A_34, %dma_start3A_35] : memref<4096x768xf32, #tpu.memory_space<hbm>> -> memref<4096x768xf32, #tpu.memory_space<hbm>>
    tpu.enqueue_indirect_dma source(%arg10 : memref<32x768xf32, #tpu.memory_space<vmem>>) target(%dma_start3A_36 : memref<4096x768xf32, #tpu.memory_space<hbm>>) offsets(%arg8 : memref<32xi32, #tpu.memory_space<vmem>>) semaphore(%arg14 : memref<!tpu.dma_semaphore, #tpu.memory_space<semaphore_mem>>)
    %dma_wait3A_37 = arith.constant 0 : i32
    %dma_wait3A_38 = tpu.memref_slice %arg3[%mul3A_2, %dma_wait3A_37] : memref<2048x128xf32, #tpu.memory_space<hbm>> -> memref<32x128xf32, #tpu.memory_space<hbm>>
    %dma_wait3A_39 = arith.constant 0 : i32
    %dma_wait3A_40 = tpu.memref_slice %arg3[%mul3A_2, %dma_wait3A_39] : memref<2048x128xf32, #tpu.memory_space<hbm>> -> memref<32x128xf32, #tpu.memory_space<hbm>>
    tpu.wait_dma2 semaphore(%arg15 : memref<!tpu.dma_semaphore, #tpu.memory_space<semaphore_mem>>) src(%dma_wait3A_40 : memref<32x128xf32, #tpu.memory_space<hbm>>) dst(%arg11 : memref<32x128xf32, #tpu.memory_space<vmem>>)
    %dma_wait3A_41 = arith.constant 0 : i32
    %dma_wait3A_42 = tpu.memref_slice %arg3[%add3A_17, %dma_wait3A_41] : memref<2048x128xf32, #tpu.memory_space<hbm>> -> memref<32x128xf32, #tpu.memory_space<hbm>>
    %dma_wait3A_43 = arith.constant 0 : i32
    %dma_wait3A_44 = tpu.memref_slice %arg3[%add3A_17, %dma_wait3A_43] : memref<2048x128xf32, #tpu.memory_space<hbm>> -> memref<32x128xf32, #tpu.memory_space<hbm>>
    tpu.wait_dma2 semaphore(%arg15 : memref<!tpu.dma_semaphore, #tpu.memory_space<semaphore_mem>>) src(%dma_wait3A_44 : memref<32x128xf32, #tpu.memory_space<hbm>>) dst(%arg12 : memref<32x128xf32, #tpu.memory_space<vmem>>)
    %dma_start3A_45 = arith.constant 0 : i32
    %dma_start3A_46 = arith.constant 0 : i32
    %dma_start3A_47 = tpu.memref_slice %arg6[%dma_start3A_45, %dma_start3A_46] : memref<4096x128xf32, #tpu.memory_space<hbm>> -> memref<4096x128xf32, #tpu.memory_space<hbm>>
    tpu.enqueue_indirect_dma source(%arg11 : memref<32x128xf32, #tpu.memory_space<vmem>>) target(%dma_start3A_47 : memref<4096x128xf32, #tpu.memory_space<hbm>>) offsets(%arg7 : memref<32xi32, #tpu.memory_space<vmem>>) semaphore(%arg15 : memref<!tpu.dma_semaphore, #tpu.memory_space<semaphore_mem>>)
    %dma_start3A_48 = arith.constant 0 : i32
    %dma_start3A_49 = arith.constant 0 : i32
    %dma_start3A_50 = tpu.memref_slice %arg6[%dma_start3A_48, %dma_start3A_49] : memref<4096x128xf32, #tpu.memory_space<hbm>> -> memref<4096x128xf32, #tpu.memory_space<hbm>>
    tpu.enqueue_indirect_dma source(%arg12 : memref<32x128xf32, #tpu.memory_space<vmem>>) target(%dma_start3A_50 : memref<4096x128xf32, #tpu.memory_space<hbm>>) offsets(%arg8 : memref<32xi32, #tpu.memory_space<vmem>>) semaphore(%arg15 : memref<!tpu.dma_semaphore, #tpu.memory_space<semaphore_mem>>)
    %dma_wait3A_51 = arith.constant 0 : i32
    %dma_wait3A_52 = arith.constant 0 : i32
    %dma_wait3A_53 = tpu.memref_slice %arg5[%dma_wait3A_51, %dma_wait3A_52] : memref<4096x768xf32, #tpu.memory_space<hbm>> -> memref<4096x768xf32, #tpu.memory_space<hbm>>
    tpu.wait_indirect_dma semaphore(%arg13 : memref<!tpu.dma_semaphore, #tpu.memory_space<semaphore_mem>>) src(%arg9 : memref<32x768xf32, #tpu.memory_space<vmem>>) dst(%dma_wait3A_53 : memref<4096x768xf32, #tpu.memory_space<hbm>>)
    %dma_wait3A_54 = arith.constant 0 : i32
    %dma_wait3A_55 = arith.constant 0 : i32
    %dma_wait3A_56 = tpu.memref_slice %arg5[%dma_wait3A_54, %dma_wait3A_55] : memref<4096x768xf32, #tpu.memory_space<hbm>> -> memref<4096x768xf32, #tpu.memory_space<hbm>>
    tpu.wait_indirect_dma semaphore(%arg14 : memref<!tpu.dma_semaphore, #tpu.memory_space<semaphore_mem>>) src(%arg10 : memref<32x768xf32, #tpu.memory_space<vmem>>) dst(%dma_wait3A_56 : memref<4096x768xf32, #tpu.memory_space<hbm>>)
    %dma_wait3A_57 = arith.constant 0 : i32
    %dma_wait3A_58 = arith.constant 0 : i32
    %dma_wait3A_59 = tpu.memref_slice %arg6[%dma_wait3A_57, %dma_wait3A_58] : memref<4096x128xf32, #tpu.memory_space<hbm>> -> memref<4096x128xf32, #tpu.memory_space<hbm>>
    tpu.wait_indirect_dma semaphore(%arg15 : memref<!tpu.dma_semaphore, #tpu.memory_space<semaphore_mem>>) src(%arg11 : memref<32x128xf32, #tpu.memory_space<vmem>>) dst(%dma_wait3A_59 : memref<4096x128xf32, #tpu.memory_space<hbm>>)
    %dma_wait3A_60 = arith.constant 0 : i32
    %dma_wait3A_61 = arith.constant 0 : i32
    %dma_wait3A_62 = tpu.memref_slice %arg6[%dma_wait3A_60, %dma_wait3A_61] : memref<4096x128xf32, #tpu.memory_space<hbm>> -> memref<4096x128xf32, #tpu.memory_space<hbm>>
    tpu.wait_indirect_dma semaphore(%arg15 : memref<!tpu.dma_semaphore, #tpu.memory_space<semaphore_mem>>) src(%arg12 : memref<32x128xf32, #tpu.memory_space<vmem>>) dst(%dma_wait3A_62 : memref<4096x128xf32, #tpu.memory_space<hbm>>)
    return
  }
}

#map = affine_map<(d0, d1) -> (0, 0)>
#map1 = affine_map<(d0, d1) -> (0)>
module attributes {stable_mosaic.version = 14 : i64} {
  func.func @_sc_gather_body(%arg0: i32, %arg1: i32, %arg2: memref<4096x768xf32, #tpu.memory_space<hbm>>, %arg3: memref<2048xi32, #tpu.memory_space<hbm>>, %arg4: memref<2048x768xf32, #tpu.memory_space<hbm>>, %arg5: memref<32xi32, #tpu.memory_space<vmem>>, %arg6: memref<32xi32, #tpu.memory_space<vmem>>, %arg7: memref<32x768xf32, #tpu.memory_space<vmem>>, %arg8: memref<32x768xf32, #tpu.memory_space<vmem>>, %arg9: memref<!tpu.dma_semaphore, #tpu.memory_space<semaphore_mem>>, %arg10: memref<!tpu.dma_semaphore, #tpu.memory_space<semaphore_mem>>) attributes {dimension_semantics = [#tpu.dimension_semantics<core_parallel>, #tpu.dimension_semantics<subcore_parallel>], iteration_bounds = array<i64: 2, 16>, scalar_prefetch = 0 : i64, scratch_operands = 6 : i64, tpu.core_type = #tpu.core_type<sc_vector_subcore>, window_params = [{transform_indices = #map}, {transform_indices = #map1}, {transform_indices = #map}]} {
    %mul3A = arith.constant 2 : i32
    %mul3A_0 = arith.muli %arg1, %mul3A : i32
    %add3A = arith.addi %mul3A_0, %arg0 : i32
    %mul3A_1 = arith.constant 64 : i32
    %mul3A_2 = arith.muli %add3A, %mul3A_1 : i32
    "tpu.region"() ({
      %run_scoped3A = tpu.sem_alloc : memref<!tpu.dma_semaphore, #tpu.memory_space<semaphore_mem>>
      %dma_start3A_33 = tpu.memref_slice %arg3[%mul3A_2] : memref<2048xi32, #tpu.memory_space<hbm>> -> memref<32xi32, #tpu.memory_space<hbm>>
      %dma_start3A_34 = tpu.memref_slice %arg3[%mul3A_2] : memref<2048xi32, #tpu.memory_space<hbm>> -> memref<32xi32, #tpu.memory_space<hbm>>
      tpu.enqueue_dma source(%dma_start3A_34 : memref<32xi32, #tpu.memory_space<hbm>>) target(%arg5 : memref<32xi32, #tpu.memory_space<vmem>>) target_semaphore(%run_scoped3A : memref<!tpu.dma_semaphore, #tpu.memory_space<semaphore_mem>>)
      %dma_wait3A_35 = tpu.memref_slice %arg3[%mul3A_2] : memref<2048xi32, #tpu.memory_space<hbm>> -> memref<32xi32, #tpu.memory_space<hbm>>
      %dma_wait3A_36 = tpu.memref_slice %arg3[%mul3A_2] : memref<2048xi32, #tpu.memory_space<hbm>> -> memref<32xi32, #tpu.memory_space<hbm>>
      tpu.wait_dma2 semaphore(%run_scoped3A : memref<!tpu.dma_semaphore, #tpu.memory_space<semaphore_mem>>) src(%dma_wait3A_36 : memref<32xi32, #tpu.memory_space<hbm>>) dst(%arg5 : memref<32xi32, #tpu.memory_space<vmem>>)
      tpu.yield
    }) : () -> ()
    %dma_start3A = arith.constant 0 : i32
    %dma_start3A_3 = arith.constant 0 : i32
    %dma_start3A_4 = tpu.memref_slice %arg2[%dma_start3A, %dma_start3A_3] : memref<4096x768xf32, #tpu.memory_space<hbm>> -> memref<4096x768xf32, #tpu.memory_space<hbm>>
    tpu.enqueue_indirect_dma source(%dma_start3A_4 : memref<4096x768xf32, #tpu.memory_space<hbm>>) target(%arg7 : memref<32x768xf32, #tpu.memory_space<vmem>>) offsets(%arg5 : memref<32xi32, #tpu.memory_space<vmem>>) semaphore(%arg9 : memref<!tpu.dma_semaphore, #tpu.memory_space<semaphore_mem>>)
    %add3A_5 = arith.constant 32 : i32
    %add3A_6 = arith.addi %mul3A_2, %add3A_5 : i32
    "tpu.region"() ({
      %run_scoped3A = tpu.sem_alloc : memref<!tpu.dma_semaphore, #tpu.memory_space<semaphore_mem>>
      %dma_start3A_33 = tpu.memref_slice %arg3[%add3A_6] : memref<2048xi32, #tpu.memory_space<hbm>> -> memref<32xi32, #tpu.memory_space<hbm>>
      %dma_start3A_34 = tpu.memref_slice %arg3[%add3A_6] : memref<2048xi32, #tpu.memory_space<hbm>> -> memref<32xi32, #tpu.memory_space<hbm>>
      tpu.enqueue_dma source(%dma_start3A_34 : memref<32xi32, #tpu.memory_space<hbm>>) target(%arg6 : memref<32xi32, #tpu.memory_space<vmem>>) target_semaphore(%run_scoped3A : memref<!tpu.dma_semaphore, #tpu.memory_space<semaphore_mem>>)
      %dma_wait3A_35 = tpu.memref_slice %arg3[%add3A_6] : memref<2048xi32, #tpu.memory_space<hbm>> -> memref<32xi32, #tpu.memory_space<hbm>>
      %dma_wait3A_36 = tpu.memref_slice %arg3[%add3A_6] : memref<2048xi32, #tpu.memory_space<hbm>> -> memref<32xi32, #tpu.memory_space<hbm>>
      tpu.wait_dma2 semaphore(%run_scoped3A : memref<!tpu.dma_semaphore, #tpu.memory_space<semaphore_mem>>) src(%dma_wait3A_36 : memref<32xi32, #tpu.memory_space<hbm>>) dst(%arg6 : memref<32xi32, #tpu.memory_space<vmem>>)
      tpu.yield
    }) : () -> ()
    %dma_start3A_7 = arith.constant 0 : i32
    %dma_start3A_8 = arith.constant 0 : i32
    %dma_start3A_9 = tpu.memref_slice %arg2[%dma_start3A_7, %dma_start3A_8] : memref<4096x768xf32, #tpu.memory_space<hbm>> -> memref<4096x768xf32, #tpu.memory_space<hbm>>
    tpu.enqueue_indirect_dma source(%dma_start3A_9 : memref<4096x768xf32, #tpu.memory_space<hbm>>) target(%arg8 : memref<32x768xf32, #tpu.memory_space<vmem>>) offsets(%arg6 : memref<32xi32, #tpu.memory_space<vmem>>) semaphore(%arg10 : memref<!tpu.dma_semaphore, #tpu.memory_space<semaphore_mem>>)
    %dma_wait3A = arith.constant 0 : i32
    %dma_wait3A_10 = arith.constant 0 : i32
    %dma_wait3A_11 = tpu.memref_slice %arg2[%dma_wait3A, %dma_wait3A_10] : memref<4096x768xf32, #tpu.memory_space<hbm>> -> memref<4096x768xf32, #tpu.memory_space<hbm>>
    tpu.wait_indirect_dma semaphore(%arg9 : memref<!tpu.dma_semaphore, #tpu.memory_space<semaphore_mem>>) src(%dma_wait3A_11 : memref<4096x768xf32, #tpu.memory_space<hbm>>) dst(%arg7 : memref<32x768xf32, #tpu.memory_space<vmem>>)
    %dma_start3A_12 = arith.constant 0 : i32
    %dma_start3A_13 = tpu.memref_slice %arg4[%mul3A_2, %dma_start3A_12] : memref<2048x768xf32, #tpu.memory_space<hbm>> -> memref<32x768xf32, #tpu.memory_space<hbm>>
    %dma_start3A_14 = arith.constant 0 : i32
    %dma_start3A_15 = tpu.memref_slice %arg4[%mul3A_2, %dma_start3A_14] : memref<2048x768xf32, #tpu.memory_space<hbm>> -> memref<32x768xf32, #tpu.memory_space<hbm>>
    tpu.enqueue_dma source(%arg7 : memref<32x768xf32, #tpu.memory_space<vmem>>) target(%dma_start3A_15 : memref<32x768xf32, #tpu.memory_space<hbm>>) target_semaphore(%arg9 : memref<!tpu.dma_semaphore, #tpu.memory_space<semaphore_mem>>)
    %dma_wait3A_16 = arith.constant 0 : i32
    %dma_wait3A_17 = arith.constant 0 : i32
    %dma_wait3A_18 = tpu.memref_slice %arg2[%dma_wait3A_16, %dma_wait3A_17] : memref<4096x768xf32, #tpu.memory_space<hbm>> -> memref<4096x768xf32, #tpu.memory_space<hbm>>
    tpu.wait_indirect_dma semaphore(%arg10 : memref<!tpu.dma_semaphore, #tpu.memory_space<semaphore_mem>>) src(%dma_wait3A_18 : memref<4096x768xf32, #tpu.memory_space<hbm>>) dst(%arg8 : memref<32x768xf32, #tpu.memory_space<vmem>>)
    %add3A_19 = arith.constant 32 : i32
    %add3A_20 = arith.addi %mul3A_2, %add3A_19 : i32
    %dma_start3A_21 = arith.constant 0 : i32
    %dma_start3A_22 = tpu.memref_slice %arg4[%add3A_20, %dma_start3A_21] : memref<2048x768xf32, #tpu.memory_space<hbm>> -> memref<32x768xf32, #tpu.memory_space<hbm>>
    %dma_start3A_23 = arith.constant 0 : i32
    %dma_start3A_24 = tpu.memref_slice %arg4[%add3A_20, %dma_start3A_23] : memref<2048x768xf32, #tpu.memory_space<hbm>> -> memref<32x768xf32, #tpu.memory_space<hbm>>
    tpu.enqueue_dma source(%arg8 : memref<32x768xf32, #tpu.memory_space<vmem>>) target(%dma_start3A_24 : memref<32x768xf32, #tpu.memory_space<hbm>>) target_semaphore(%arg10 : memref<!tpu.dma_semaphore, #tpu.memory_space<semaphore_mem>>)
    %dma_wait3A_25 = arith.constant 0 : i32
    %dma_wait3A_26 = tpu.memref_slice %arg4[%mul3A_2, %dma_wait3A_25] : memref<2048x768xf32, #tpu.memory_space<hbm>> -> memref<32x768xf32, #tpu.memory_space<hbm>>
    %dma_wait3A_27 = arith.constant 0 : i32
    %dma_wait3A_28 = tpu.memref_slice %arg4[%mul3A_2, %dma_wait3A_27] : memref<2048x768xf32, #tpu.memory_space<hbm>> -> memref<32x768xf32, #tpu.memory_space<hbm>>
    tpu.wait_dma2 semaphore(%arg9 : memref<!tpu.dma_semaphore, #tpu.memory_space<semaphore_mem>>) src(%arg7 : memref<32x768xf32, #tpu.memory_space<vmem>>) dst(%dma_wait3A_28 : memref<32x768xf32, #tpu.memory_space<hbm>>)
    %dma_wait3A_29 = arith.constant 0 : i32
    %dma_wait3A_30 = tpu.memref_slice %arg4[%add3A_20, %dma_wait3A_29] : memref<2048x768xf32, #tpu.memory_space<hbm>> -> memref<32x768xf32, #tpu.memory_space<hbm>>
    %dma_wait3A_31 = arith.constant 0 : i32
    %dma_wait3A_32 = tpu.memref_slice %arg4[%add3A_20, %dma_wait3A_31] : memref<2048x768xf32, #tpu.memory_space<hbm>> -> memref<32x768xf32, #tpu.memory_space<hbm>>
    tpu.wait_dma2 semaphore(%arg10 : memref<!tpu.dma_semaphore, #tpu.memory_space<semaphore_mem>>) src(%arg8 : memref<32x768xf32, #tpu.memory_space<vmem>>) dst(%dma_wait3A_32 : memref<32x768xf32, #tpu.memory_space<hbm>>)
    return
  }
}

module attributes {stable_mosaic.version = 14 : i64} {
  func.func @_route_body(%arg0: memref<16x128xi32, #tpu.memory_space<vmem>>, %arg1: memref<16x128xi32, #tpu.memory_space<vmem>>, %arg2: memref<1x128xi32, #tpu.memory_space<vmem>>) attributes {dimension_semantics = [], scalar_prefetch = 0 : i64, scratch_operands = 0 : i64, tpu.core_type = #tpu.core_type<tc>} {
    %get3A = arith.constant 0 : index
    %get3A_0 = arith.constant 0 : index
    %get3A_1 = vector.load %arg0[%get3A, %get3A_0] : memref<16x128xi32, #tpu.memory_space<vmem>>, vector<16x128xi32>
    %iota3A = tpu.iota {dimensions = array<i32: 0>} : vector<128x128xi32>
    %iota3A_2 = tpu.iota {dimensions = array<i32: 1>} : vector<128x128xi32>
    %lt3A = arith.cmpi slt, %iota3A, %iota3A_2 : vector<128x128xi32>
    %jit3A = arith.constant 1.000000e+00 : f32
    %jit3A_3 = arith.constant 0.000000e+00 : f32
    %broadcast_in_dim3A = vector.broadcast %jit3A : f32 to vector<128x128xf32>
    %broadcast_in_dim3A_4 = vector.broadcast %jit3A_3 : f32 to vector<128x128xf32>
    %select_n3A = arith.select %lt3A, %broadcast_in_dim3A, %broadcast_in_dim3A_4 : vector<128x128xi1>, vector<128x128xf32>
    %iota3A_5 = tpu.iota {dimensions = array<i32: 0>} : vector<16x16xi32>
    %iota3A_6 = tpu.iota {dimensions = array<i32: 1>} : vector<16x16xi32>
    %lt3A_7 = arith.cmpi slt, %iota3A_6, %iota3A_5 : vector<16x16xi32>
    %jit3A_8 = arith.constant 1.000000e+00 : f32
    %jit3A_9 = arith.constant 0.000000e+00 : f32
    %broadcast_in_dim3A_10 = vector.broadcast %jit3A_8 : f32 to vector<16x16xf32>
    %broadcast_in_dim3A_11 = vector.broadcast %jit3A_9 : f32 to vector<16x16xf32>
    %select_n3A_12 = arith.select %lt3A_7, %broadcast_in_dim3A_10, %broadcast_in_dim3A_11 : vector<16x16xi1>, vector<16x16xf32>
    %broadcast_in_dim3A_13 = arith.constant 0.000000e+00 : f32
    %broadcast_in_dim3A_14 = vector.broadcast %broadcast_in_dim3A_13 : f32 to vector<16x128xf32>
    %eq3A = arith.constant 0 : i32
    %eq3A_15 = vector.broadcast %eq3A : i32 to vector<16x128xi32>
    %eq3A_16 = arith.cmpi eq, %get3A_1, %eq3A_15 : vector<16x128xi32>
    %jit3A_17 = arith.constant 1.000000e+00 : f32
    %jit3A_18 = arith.constant 0.000000e+00 : f32
    %broadcast_in_dim3A_19 = vector.broadcast %jit3A_17 : f32 to vector<16x128xf32>
    %broadcast_in_dim3A_20 = vector.broadcast %jit3A_18 : f32 to vector<16x128xf32>
    %select_n3A_21 = arith.select %eq3A_16, %broadcast_in_dim3A_19, %broadcast_in_dim3A_20 : vector<16x128xi1>, vector<16x128xf32>
    %dot_general3A = arith.constant dense<0.000000e+00> : vector<16x128xf32>
    %dot_general3A_22 = tpu.matmul %select_n3A_21, %select_n3A, %dot_general3A {dimension_numbers = #tpu.dot_dimension_numbers<[1], [0], [0], [1], [0, 0, 1, 1], [], []>, transpose_lhs_hint = false} : vector<16x128xf32>, vector<128x128xf32>, vector<16x128xf32> -> vector<16x128xf32>
    %reduce_sum3A = arith.constant dense<0.000000e+00> : vector<16xf32>
    %reduce_sum3A_23 = vector.multi_reduction <add>, %select_n3A_21, %reduce_sum3A [1] : vector<16x128xf32> to vector<16xf32>
    %broadcast_in_dim3A_24 = vector.shape_cast %reduce_sum3A_23 : vector<16xf32> to vector<16x1xf32>
    %dot_general3A_25 = arith.constant dense<0.000000e+00> : vector<16x1xf32>
    %dot_general3A_26 = tpu.matmul %select_n3A_12, %broadcast_in_dim3A_24, %dot_general3A_25 {dimension_numbers = #tpu.dot_dimension_numbers<[1], [0], [0], [1], [0, 0, 1, 1], [], []>, transpose_lhs_hint = false} : vector<16x16xf32>, vector<16x1xf32>, vector<16x1xf32> -> vector<16x1xf32>
    %add3A = vector.broadcast %dot_general3A_26 : vector<16x1xf32> to vector<16x128xf32>
    %add3A_27 = arith.addf %add3A, %dot_general3A_22 : vector<16x128xf32>
    %add3A_28 = arith.constant 0.000000e+00 : f32
    %add3A_29 = vector.broadcast %add3A_28 : f32 to vector<16x128xf32>
    %add3A_30 = arith.addf %add3A_29, %add3A_27 : vector<16x128xf32>
    %mul3A = arith.mulf %select_n3A_21, %add3A_30 : vector<16x128xf32>
    %add3A_31 = arith.addf %broadcast_in_dim3A_14, %mul3A : vector<16x128xf32>
    %reduce_sum3A_32 = vector.shape_cast %broadcast_in_dim3A_24 : vector<16x1xf32> to vector<1x16x1xf32>
    %reduce_sum3A_33 = arith.constant dense<0.000000e+00> : vector<1xf32>
    %reduce_sum3A_34 = vector.multi_reduction <add>, %reduce_sum3A_32, %reduce_sum3A_33 [1, 2] : vector<1x16x1xf32> to vector<1xf32>
    %reduce_sum3A_35 = vector.shape_cast %reduce_sum3A_34 : vector<1xf32> to vector<1x1x1xf32>
    %reduce_sum3A_36 = vector.extract %reduce_sum3A_35[0, 0, 0] : f32 from vector<1x1x1xf32>
    %convert_element_type3A = arith.fptosi %reduce_sum3A_36 : f32 to i32
    %add3A_37 = arith.constant 256 : i32
    %add3A_38 = arith.addi %convert_element_type3A, %add3A_37 : i32
    %sub3A = arith.constant 1 : i32
    %sub3A_39 = arith.subi %add3A_38, %sub3A : i32
    %and3A = arith.constant -256 : i32
    %and3A_40 = arith.andi %sub3A_39, %and3A : i32
    %convert_element_type3A_41 = arith.sitofp %and3A_40 : i32 to f32
    %add3A_42 = arith.constant 0.000000e+00 : f32
    %add3A_43 = arith.addf %add3A_42, %convert_element_type3A_41 : f32
    %eq3A_44 = arith.constant 1 : i32
    %eq3A_45 = vector.broadcast %eq3A_44 : i32 to vector<16x128xi32>
    %eq3A_46 = arith.cmpi eq, %get3A_1, %eq3A_45 : vector<16x128xi32>
    %jit3A_47 = arith.constant 1.000000e+00 : f32
    %jit3A_48 = arith.constant 0.000000e+00 : f32
    %broadcast_in_dim3A_49 = vector.broadcast %jit3A_47 : f32 to vector<16x128xf32>
    %broadcast_in_dim3A_50 = vector.broadcast %jit3A_48 : f32 to vector<16x128xf32>
    %select_n3A_51 = arith.select %eq3A_46, %broadcast_in_dim3A_49, %broadcast_in_dim3A_50 : vector<16x128xi1>, vector<16x128xf32>
    %dot_general3A_52 = arith.constant dense<0.000000e+00> : vector<16x128xf32>
    %dot_general3A_53 = tpu.matmul %select_n3A_51, %select_n3A, %dot_general3A_52 {dimension_numbers = #tpu.dot_dimension_numbers<[1], [0], [0], [1], [0, 0, 1, 1], [], []>, transpose_lhs_hint = false} : vector<16x128xf32>, vector<128x128xf32>, vector<16x128xf32> -> vector<16x128xf32>
    %reduce_sum3A_54 = arith.constant dense<0.000000e+00> : vector<16xf32>
    %reduce_sum3A_55 = vector.multi_reduction <add>, %select_n3A_51, %reduce_sum3A_54 [1] : vector<16x128xf32> to vector<16xf32>
    %broadcast_in_dim3A_56 = vector.shape_cast %reduce_sum3A_55 : vector<16xf32> to vector<16x1xf32>
    %dot_general3A_57 = arith.constant dense<0.000000e+00> : vector<16x1xf32>
    %dot_general3A_58 = tpu.matmul %select_n3A_12, %broadcast_in_dim3A_56, %dot_general3A_57 {dimension_numbers = #tpu.dot_dimension_numbers<[1], [0], [0], [1], [0, 0, 1, 1], [], []>, transpose_lhs_hint = false} : vector<16x16xf32>, vector<16x1xf32>, vector<16x1xf32> -> vector<16x1xf32>
    %add3A_59 = vector.broadcast %dot_general3A_58 : vector<16x1xf32> to vector<16x128xf32>
    %add3A_60 = arith.addf %add3A_59, %dot_general3A_53 : vector<16x128xf32>
    %add3A_61 = vector.broadcast %add3A_43 : f32 to vector<16x128xf32>
    %add3A_62 = arith.addf %add3A_61, %add3A_60 : vector<16x128xf32>
    %mul3A_63 = arith.mulf %select_n3A_51, %add3A_62 : vector<16x128xf32>
    %add3A_64 = arith.addf %add3A_31, %mul3A_63 : vector<16x128xf32>
    %reduce_sum3A_65 = vector.shape_cast %broadcast_in_dim3A_56 : vector<16x1xf32> to vector<1x16x1xf32>
    %reduce_sum3A_66 = arith.constant dense<0.000000e+00> : vector<1xf32>
    %reduce_sum3A_67 = vector.multi_reduction <add>, %reduce_sum3A_65, %reduce_sum3A_66 [1, 2] : vector<1x16x1xf32> to vector<1xf32>
    %reduce_sum3A_68 = vector.shape_cast %reduce_sum3A_67 : vector<1xf32> to vector<1x1x1xf32>
    %reduce_sum3A_69 = vector.extract %reduce_sum3A_68[0, 0, 0] : f32 from vector<1x1x1xf32>
    %convert_element_type3A_70 = arith.fptosi %reduce_sum3A_69 : f32 to i32
    %add3A_71 = arith.constant 256 : i32
    %add3A_72 = arith.addi %convert_element_type3A_70, %add3A_71 : i32
    %sub3A_73 = arith.constant 1 : i32
    %sub3A_74 = arith.subi %add3A_72, %sub3A_73 : i32
    %and3A_75 = arith.constant -256 : i32
    %and3A_76 = arith.andi %sub3A_74, %and3A_75 : i32
    %convert_element_type3A_77 = arith.sitofp %and3A_76 : i32 to f32
    %add3A_78 = arith.addf %add3A_43, %convert_element_type3A_77 : f32
    %eq3A_79 = arith.constant 2 : i32
    %eq3A_80 = vector.broadcast %eq3A_79 : i32 to vector<16x128xi32>
    %eq3A_81 = arith.cmpi eq, %get3A_1, %eq3A_80 : vector<16x128xi32>
    %jit3A_82 = arith.constant 1.000000e+00 : f32
    %jit3A_83 = arith.constant 0.000000e+00 : f32
    %broadcast_in_dim3A_84 = vector.broadcast %jit3A_82 : f32 to vector<16x128xf32>
    %broadcast_in_dim3A_85 = vector.broadcast %jit3A_83 : f32 to vector<16x128xf32>
    %select_n3A_86 = arith.select %eq3A_81, %broadcast_in_dim3A_84, %broadcast_in_dim3A_85 : vector<16x128xi1>, vector<16x128xf32>
    %dot_general3A_87 = arith.constant dense<0.000000e+00> : vector<16x128xf32>
    %dot_general3A_88 = tpu.matmul %select_n3A_86, %select_n3A, %dot_general3A_87 {dimension_numbers = #tpu.dot_dimension_numbers<[1], [0], [0], [1], [0, 0, 1, 1], [], []>, transpose_lhs_hint = false} : vector<16x128xf32>, vector<128x128xf32>, vector<16x128xf32> -> vector<16x128xf32>
    %reduce_sum3A_89 = arith.constant dense<0.000000e+00> : vector<16xf32>
    %reduce_sum3A_90 = vector.multi_reduction <add>, %select_n3A_86, %reduce_sum3A_89 [1] : vector<16x128xf32> to vector<16xf32>
    %broadcast_in_dim3A_91 = vector.shape_cast %reduce_sum3A_90 : vector<16xf32> to vector<16x1xf32>
    %dot_general3A_92 = arith.constant dense<0.000000e+00> : vector<16x1xf32>
    %dot_general3A_93 = tpu.matmul %select_n3A_12, %broadcast_in_dim3A_91, %dot_general3A_92 {dimension_numbers = #tpu.dot_dimension_numbers<[1], [0], [0], [1], [0, 0, 1, 1], [], []>, transpose_lhs_hint = false} : vector<16x16xf32>, vector<16x1xf32>, vector<16x1xf32> -> vector<16x1xf32>
    %add3A_94 = vector.broadcast %dot_general3A_93 : vector<16x1xf32> to vector<16x128xf32>
    %add3A_95 = arith.addf %add3A_94, %dot_general3A_88 : vector<16x128xf32>
    %add3A_96 = vector.broadcast %add3A_78 : f32 to vector<16x128xf32>
    %add3A_97 = arith.addf %add3A_96, %add3A_95 : vector<16x128xf32>
    %mul3A_98 = arith.mulf %select_n3A_86, %add3A_97 : vector<16x128xf32>
    %add3A_99 = arith.addf %add3A_64, %mul3A_98 : vector<16x128xf32>
    %reduce_sum3A_100 = vector.shape_cast %broadcast_in_dim3A_91 : vector<16x1xf32> to vector<1x16x1xf32>
    %reduce_sum3A_101 = arith.constant dense<0.000000e+00> : vector<1xf32>
    %reduce_sum3A_102 = vector.multi_reduction <add>, %reduce_sum3A_100, %reduce_sum3A_101 [1, 2] : vector<1x16x1xf32> to vector<1xf32>
    %reduce_sum3A_103 = vector.shape_cast %reduce_sum3A_102 : vector<1xf32> to vector<1x1x1xf32>
    %reduce_sum3A_104 = vector.extract %reduce_sum3A_103[0, 0, 0] : f32 from vector<1x1x1xf32>
    %convert_element_type3A_105 = arith.fptosi %reduce_sum3A_104 : f32 to i32
    %add3A_106 = arith.constant 256 : i32
    %add3A_107 = arith.addi %convert_element_type3A_105, %add3A_106 : i32
    %sub3A_108 = arith.constant 1 : i32
    %sub3A_109 = arith.subi %add3A_107, %sub3A_108 : i32
    %and3A_110 = arith.constant -256 : i32
    %and3A_111 = arith.andi %sub3A_109, %and3A_110 : i32
    %convert_element_type3A_112 = arith.sitofp %and3A_111 : i32 to f32
    %add3A_113 = arith.addf %add3A_78, %convert_element_type3A_112 : f32
    %eq3A_114 = arith.constant 3 : i32
    %eq3A_115 = vector.broadcast %eq3A_114 : i32 to vector<16x128xi32>
    %eq3A_116 = arith.cmpi eq, %get3A_1, %eq3A_115 : vector<16x128xi32>
    %jit3A_117 = arith.constant 1.000000e+00 : f32
    %jit3A_118 = arith.constant 0.000000e+00 : f32
    %broadcast_in_dim3A_119 = vector.broadcast %jit3A_117 : f32 to vector<16x128xf32>
    %broadcast_in_dim3A_120 = vector.broadcast %jit3A_118 : f32 to vector<16x128xf32>
    %select_n3A_121 = arith.select %eq3A_116, %broadcast_in_dim3A_119, %broadcast_in_dim3A_120 : vector<16x128xi1>, vector<16x128xf32>
    %dot_general3A_122 = arith.constant dense<0.000000e+00> : vector<16x128xf32>
    %dot_general3A_123 = tpu.matmul %select_n3A_121, %select_n3A, %dot_general3A_122 {dimension_numbers = #tpu.dot_dimension_numbers<[1], [0], [0], [1], [0, 0, 1, 1], [], []>, transpose_lhs_hint = false} : vector<16x128xf32>, vector<128x128xf32>, vector<16x128xf32> -> vector<16x128xf32>
    %reduce_sum3A_124 = arith.constant dense<0.000000e+00> : vector<16xf32>
    %reduce_sum3A_125 = vector.multi_reduction <add>, %select_n3A_121, %reduce_sum3A_124 [1] : vector<16x128xf32> to vector<16xf32>
    %broadcast_in_dim3A_126 = vector.shape_cast %reduce_sum3A_125 : vector<16xf32> to vector<16x1xf32>
    %dot_general3A_127 = arith.constant dense<0.000000e+00> : vector<16x1xf32>
    %dot_general3A_128 = tpu.matmul %select_n3A_12, %broadcast_in_dim3A_126, %dot_general3A_127 {dimension_numbers = #tpu.dot_dimension_numbers<[1], [0], [0], [1], [0, 0, 1, 1], [], []>, transpose_lhs_hint = false} : vector<16x16xf32>, vector<16x1xf32>, vector<16x1xf32> -> vector<16x1xf32>
    %add3A_129 = vector.broadcast %dot_general3A_128 : vector<16x1xf32> to vector<16x128xf32>
    %add3A_130 = arith.addf %add3A_129, %dot_general3A_123 : vector<16x128xf32>
    %add3A_131 = vector.broadcast %add3A_113 : f32 to vector<16x128xf32>
    %add3A_132 = arith.addf %add3A_131, %add3A_130 : vector<16x128xf32>
    %mul3A_133 = arith.mulf %select_n3A_121, %add3A_132 : vector<16x128xf32>
    %add3A_134 = arith.addf %add3A_99, %mul3A_133 : vector<16x128xf32>
    %reduce_sum3A_135 = vector.shape_cast %broadcast_in_dim3A_126 : vector<16x1xf32> to vector<1x16x1xf32>
    %reduce_sum3A_136 = arith.constant dense<0.000000e+00> : vector<1xf32>
    %reduce_sum3A_137 = vector.multi_reduction <add>, %reduce_sum3A_135, %reduce_sum3A_136 [1, 2] : vector<1x16x1xf32> to vector<1xf32>
    %reduce_sum3A_138 = vector.shape_cast %reduce_sum3A_137 : vector<1xf32> to vector<1x1x1xf32>
    %reduce_sum3A_139 = vector.extract %reduce_sum3A_138[0, 0, 0] : f32 from vector<1x1x1xf32>
    %convert_element_type3A_140 = arith.fptosi %reduce_sum3A_139 : f32 to i32
    %add3A_141 = arith.constant 256 : i32
    %add3A_142 = arith.addi %convert_element_type3A_140, %add3A_141 : i32
    %sub3A_143 = arith.constant 1 : i32
    %sub3A_144 = arith.subi %add3A_142, %sub3A_143 : i32
    %and3A_145 = arith.constant -256 : i32
    %and3A_146 = arith.andi %sub3A_144, %and3A_145 : i32
    %convert_element_type3A_147 = arith.sitofp %and3A_146 : i32 to f32
    %add3A_148 = arith.addf %add3A_113, %convert_element_type3A_147 : f32
    %eq3A_149 = arith.constant 4 : i32
    %eq3A_150 = vector.broadcast %eq3A_149 : i32 to vector<16x128xi32>
    %eq3A_151 = arith.cmpi eq, %get3A_1, %eq3A_150 : vector<16x128xi32>
    %jit3A_152 = arith.constant 1.000000e+00 : f32
    %jit3A_153 = arith.constant 0.000000e+00 : f32
    %broadcast_in_dim3A_154 = vector.broadcast %jit3A_152 : f32 to vector<16x128xf32>
    %broadcast_in_dim3A_155 = vector.broadcast %jit3A_153 : f32 to vector<16x128xf32>
    %select_n3A_156 = arith.select %eq3A_151, %broadcast_in_dim3A_154, %broadcast_in_dim3A_155 : vector<16x128xi1>, vector<16x128xf32>
    %dot_general3A_157 = arith.constant dense<0.000000e+00> : vector<16x128xf32>
    %dot_general3A_158 = tpu.matmul %select_n3A_156, %select_n3A, %dot_general3A_157 {dimension_numbers = #tpu.dot_dimension_numbers<[1], [0], [0], [1], [0, 0, 1, 1], [], []>, transpose_lhs_hint = false} : vector<16x128xf32>, vector<128x128xf32>, vector<16x128xf32> -> vector<16x128xf32>
    %reduce_sum3A_159 = arith.constant dense<0.000000e+00> : vector<16xf32>
    %reduce_sum3A_160 = vector.multi_reduction <add>, %select_n3A_156, %reduce_sum3A_159 [1] : vector<16x128xf32> to vector<16xf32>
    %broadcast_in_dim3A_161 = vector.shape_cast %reduce_sum3A_160 : vector<16xf32> to vector<16x1xf32>
    %dot_general3A_162 = arith.constant dense<0.000000e+00> : vector<16x1xf32>
    %dot_general3A_163 = tpu.matmul %select_n3A_12, %broadcast_in_dim3A_161, %dot_general3A_162 {dimension_numbers = #tpu.dot_dimension_numbers<[1], [0], [0], [1], [0, 0, 1, 1], [], []>, transpose_lhs_hint = false} : vector<16x16xf32>, vector<16x1xf32>, vector<16x1xf32> -> vector<16x1xf32>
    %add3A_164 = vector.broadcast %dot_general3A_163 : vector<16x1xf32> to vector<16x128xf32>
    %add3A_165 = arith.addf %add3A_164, %dot_general3A_158 : vector<16x128xf32>
    %add3A_166 = vector.broadcast %add3A_148 : f32 to vector<16x128xf32>
    %add3A_167 = arith.addf %add3A_166, %add3A_165 : vector<16x128xf32>
    %mul3A_168 = arith.mulf %select_n3A_156, %add3A_167 : vector<16x128xf32>
    %add3A_169 = arith.addf %add3A_134, %mul3A_168 : vector<16x128xf32>
    %reduce_sum3A_170 = vector.shape_cast %broadcast_in_dim3A_161 : vector<16x1xf32> to vector<1x16x1xf32>
    %reduce_sum3A_171 = arith.constant dense<0.000000e+00> : vector<1xf32>
    %reduce_sum3A_172 = vector.multi_reduction <add>, %reduce_sum3A_170, %reduce_sum3A_171 [1, 2] : vector<1x16x1xf32> to vector<1xf32>
    %reduce_sum3A_173 = vector.shape_cast %reduce_sum3A_172 : vector<1xf32> to vector<1x1x1xf32>
    %reduce_sum3A_174 = vector.extract %reduce_sum3A_173[0, 0, 0] : f32 from vector<1x1x1xf32>
    %convert_element_type3A_175 = arith.fptosi %reduce_sum3A_174 : f32 to i32
    %add3A_176 = arith.constant 256 : i32
    %add3A_177 = arith.addi %convert_element_type3A_175, %add3A_176 : i32
    %sub3A_178 = arith.constant 1 : i32
    %sub3A_179 = arith.subi %add3A_177, %sub3A_178 : i32
    %and3A_180 = arith.constant -256 : i32
    %and3A_181 = arith.andi %sub3A_179, %and3A_180 : i32
    %convert_element_type3A_182 = arith.sitofp %and3A_181 : i32 to f32
    %add3A_183 = arith.addf %add3A_148, %convert_element_type3A_182 : f32
    %eq3A_184 = arith.constant 5 : i32
    %eq3A_185 = vector.broadcast %eq3A_184 : i32 to vector<16x128xi32>
    %eq3A_186 = arith.cmpi eq, %get3A_1, %eq3A_185 : vector<16x128xi32>
    %jit3A_187 = arith.constant 1.000000e+00 : f32
    %jit3A_188 = arith.constant 0.000000e+00 : f32
    %broadcast_in_dim3A_189 = vector.broadcast %jit3A_187 : f32 to vector<16x128xf32>
    %broadcast_in_dim3A_190 = vector.broadcast %jit3A_188 : f32 to vector<16x128xf32>
    %select_n3A_191 = arith.select %eq3A_186, %broadcast_in_dim3A_189, %broadcast_in_dim3A_190 : vector<16x128xi1>, vector<16x128xf32>
    %dot_general3A_192 = arith.constant dense<0.000000e+00> : vector<16x128xf32>
    %dot_general3A_193 = tpu.matmul %select_n3A_191, %select_n3A, %dot_general3A_192 {dimension_numbers = #tpu.dot_dimension_numbers<[1], [0], [0], [1], [0, 0, 1, 1], [], []>, transpose_lhs_hint = false} : vector<16x128xf32>, vector<128x128xf32>, vector<16x128xf32> -> vector<16x128xf32>
    %reduce_sum3A_194 = arith.constant dense<0.000000e+00> : vector<16xf32>
    %reduce_sum3A_195 = vector.multi_reduction <add>, %select_n3A_191, %reduce_sum3A_194 [1] : vector<16x128xf32> to vector<16xf32>
    %broadcast_in_dim3A_196 = vector.shape_cast %reduce_sum3A_195 : vector<16xf32> to vector<16x1xf32>
    %dot_general3A_197 = arith.constant dense<0.000000e+00> : vector<16x1xf32>
    %dot_general3A_198 = tpu.matmul %select_n3A_12, %broadcast_in_dim3A_196, %dot_general3A_197 {dimension_numbers = #tpu.dot_dimension_numbers<[1], [0], [0], [1], [0, 0, 1, 1], [], []>, transpose_lhs_hint = false} : vector<16x16xf32>, vector<16x1xf32>, vector<16x1xf32> -> vector<16x1xf32>
    %add3A_199 = vector.broadcast %dot_general3A_198 : vector<16x1xf32> to vector<16x128xf32>
    %add3A_200 = arith.addf %add3A_199, %dot_general3A_193 : vector<16x128xf32>
    %add3A_201 = vector.broadcast %add3A_183 : f32 to vector<16x128xf32>
    %add3A_202 = arith.addf %add3A_201, %add3A_200 : vector<16x128xf32>
    %mul3A_203 = arith.mulf %select_n3A_191, %add3A_202 : vector<16x128xf32>
    %add3A_204 = arith.addf %add3A_169, %mul3A_203 : vector<16x128xf32>
    %reduce_sum3A_205 = vector.shape_cast %broadcast_in_dim3A_196 : vector<16x1xf32> to vector<1x16x1xf32>
    %reduce_sum3A_206 = arith.constant dense<0.000000e+00> : vector<1xf32>
    %reduce_sum3A_207 = vector.multi_reduction <add>, %reduce_sum3A_205, %reduce_sum3A_206 [1, 2] : vector<1x16x1xf32> to vector<1xf32>
    %reduce_sum3A_208 = vector.shape_cast %reduce_sum3A_207 : vector<1xf32> to vector<1x1x1xf32>
    %reduce_sum3A_209 = vector.extract %reduce_sum3A_208[0, 0, 0] : f32 from vector<1x1x1xf32>
    %convert_element_type3A_210 = arith.fptosi %reduce_sum3A_209 : f32 to i32
    %add3A_211 = arith.constant 256 : i32
    %add3A_212 = arith.addi %convert_element_type3A_210, %add3A_211 : i32
    %sub3A_213 = arith.constant 1 : i32
    %sub3A_214 = arith.subi %add3A_212, %sub3A_213 : i32
    %and3A_215 = arith.constant -256 : i32
    %and3A_216 = arith.andi %sub3A_214, %and3A_215 : i32
    %convert_element_type3A_217 = arith.sitofp %and3A_216 : i32 to f32
    %add3A_218 = arith.addf %add3A_183, %convert_element_type3A_217 : f32
    %eq3A_219 = arith.constant 6 : i32
    %eq3A_220 = vector.broadcast %eq3A_219 : i32 to vector<16x128xi32>
    %eq3A_221 = arith.cmpi eq, %get3A_1, %eq3A_220 : vector<16x128xi32>
    %jit3A_222 = arith.constant 1.000000e+00 : f32
    %jit3A_223 = arith.constant 0.000000e+00 : f32
    %broadcast_in_dim3A_224 = vector.broadcast %jit3A_222 : f32 to vector<16x128xf32>
    %broadcast_in_dim3A_225 = vector.broadcast %jit3A_223 : f32 to vector<16x128xf32>
    %select_n3A_226 = arith.select %eq3A_221, %broadcast_in_dim3A_224, %broadcast_in_dim3A_225 : vector<16x128xi1>, vector<16x128xf32>
    %dot_general3A_227 = arith.constant dense<0.000000e+00> : vector<16x128xf32>
    %dot_general3A_228 = tpu.matmul %select_n3A_226, %select_n3A, %dot_general3A_227 {dimension_numbers = #tpu.dot_dimension_numbers<[1], [0], [0], [1], [0, 0, 1, 1], [], []>, transpose_lhs_hint = false} : vector<16x128xf32>, vector<128x128xf32>, vector<16x128xf32> -> vector<16x128xf32>
    %reduce_sum3A_229 = arith.constant dense<0.000000e+00> : vector<16xf32>
    %reduce_sum3A_230 = vector.multi_reduction <add>, %select_n3A_226, %reduce_sum3A_229 [1] : vector<16x128xf32> to vector<16xf32>
    %broadcast_in_dim3A_231 = vector.shape_cast %reduce_sum3A_230 : vector<16xf32> to vector<16x1xf32>
    %dot_general3A_232 = arith.constant dense<0.000000e+00> : vector<16x1xf32>
    %dot_general3A_233 = tpu.matmul %select_n3A_12, %broadcast_in_dim3A_231, %dot_general3A_232 {dimension_numbers = #tpu.dot_dimension_numbers<[1], [0], [0], [1], [0, 0, 1, 1], [], []>, transpose_lhs_hint = false} : vector<16x16xf32>, vector<16x1xf32>, vector<16x1xf32> -> vector<16x1xf32>
    %add3A_234 = vector.broadcast %dot_general3A_233 : vector<16x1xf32> to vector<16x128xf32>
    %add3A_235 = arith.addf %add3A_234, %dot_general3A_228 : vector<16x128xf32>
    %add3A_236 = vector.broadcast %add3A_218 : f32 to vector<16x128xf32>
    %add3A_237 = arith.addf %add3A_236, %add3A_235 : vector<16x128xf32>
    %mul3A_238 = arith.mulf %select_n3A_226, %add3A_237 : vector<16x128xf32>
    %add3A_239 = arith.addf %add3A_204, %mul3A_238 : vector<16x128xf32>
    %reduce_sum3A_240 = vector.shape_cast %broadcast_in_dim3A_231 : vector<16x1xf32> to vector<1x16x1xf32>
    %reduce_sum3A_241 = arith.constant dense<0.000000e+00> : vector<1xf32>
    %reduce_sum3A_242 = vector.multi_reduction <add>, %reduce_sum3A_240, %reduce_sum3A_241 [1, 2] : vector<1x16x1xf32> to vector<1xf32>
    %reduce_sum3A_243 = vector.shape_cast %reduce_sum3A_242 : vector<1xf32> to vector<1x1x1xf32>
    %reduce_sum3A_244 = vector.extract %reduce_sum3A_243[0, 0, 0] : f32 from vector<1x1x1xf32>
    %convert_element_type3A_245 = arith.fptosi %reduce_sum3A_244 : f32 to i32
    %add3A_246 = arith.constant 256 : i32
    %add3A_247 = arith.addi %convert_element_type3A_245, %add3A_246 : i32
    %sub3A_248 = arith.constant 1 : i32
    %sub3A_249 = arith.subi %add3A_247, %sub3A_248 : i32
    %and3A_250 = arith.constant -256 : i32
    %and3A_251 = arith.andi %sub3A_249, %and3A_250 : i32
    %convert_element_type3A_252 = arith.sitofp %and3A_251 : i32 to f32
    %add3A_253 = arith.addf %add3A_218, %convert_element_type3A_252 : f32
    %eq3A_254 = arith.constant 7 : i32
    %eq3A_255 = vector.broadcast %eq3A_254 : i32 to vector<16x128xi32>
    %eq3A_256 = arith.cmpi eq, %get3A_1, %eq3A_255 : vector<16x128xi32>
    %jit3A_257 = arith.constant 1.000000e+00 : f32
    %jit3A_258 = arith.constant 0.000000e+00 : f32
    %broadcast_in_dim3A_259 = vector.broadcast %jit3A_257 : f32 to vector<16x128xf32>
    %broadcast_in_dim3A_260 = vector.broadcast %jit3A_258 : f32 to vector<16x128xf32>
    %select_n3A_261 = arith.select %eq3A_256, %broadcast_in_dim3A_259, %broadcast_in_dim3A_260 : vector<16x128xi1>, vector<16x128xf32>
    %dot_general3A_262 = arith.constant dense<0.000000e+00> : vector<16x128xf32>
    %dot_general3A_263 = tpu.matmul %select_n3A_261, %select_n3A, %dot_general3A_262 {dimension_numbers = #tpu.dot_dimension_numbers<[1], [0], [0], [1], [0, 0, 1, 1], [], []>, transpose_lhs_hint = false} : vector<16x128xf32>, vector<128x128xf32>, vector<16x128xf32> -> vector<16x128xf32>
    %reduce_sum3A_264 = arith.constant dense<0.000000e+00> : vector<16xf32>
    %reduce_sum3A_265 = vector.multi_reduction <add>, %select_n3A_261, %reduce_sum3A_264 [1] : vector<16x128xf32> to vector<16xf32>
    %broadcast_in_dim3A_266 = vector.shape_cast %reduce_sum3A_265 : vector<16xf32> to vector<16x1xf32>
    %dot_general3A_267 = arith.constant dense<0.000000e+00> : vector<16x1xf32>
    %dot_general3A_268 = tpu.matmul %select_n3A_12, %broadcast_in_dim3A_266, %dot_general3A_267 {dimension_numbers = #tpu.dot_dimension_numbers<[1], [0], [0], [1], [0, 0, 1, 1], [], []>, transpose_lhs_hint = false} : vector<16x16xf32>, vector<16x1xf32>, vector<16x1xf32> -> vector<16x1xf32>
    %add3A_269 = vector.broadcast %dot_general3A_268 : vector<16x1xf32> to vector<16x128xf32>
    %add3A_270 = arith.addf %add3A_269, %dot_general3A_263 : vector<16x128xf32>
    %add3A_271 = vector.broadcast %add3A_253 : f32 to vector<16x128xf32>
    %add3A_272 = arith.addf %add3A_271, %add3A_270 : vector<16x128xf32>
    %mul3A_273 = arith.mulf %select_n3A_261, %add3A_272 : vector<16x128xf32>
    %add3A_274 = arith.addf %add3A_239, %mul3A_273 : vector<16x128xf32>
    %reduce_sum3A_275 = vector.shape_cast %broadcast_in_dim3A_266 : vector<16x1xf32> to vector<1x16x1xf32>
    %reduce_sum3A_276 = arith.constant dense<0.000000e+00> : vector<1xf32>
    %reduce_sum3A_277 = vector.multi_reduction <add>, %reduce_sum3A_275, %reduce_sum3A_276 [1, 2] : vector<1x16x1xf32> to vector<1xf32>
    %reduce_sum3A_278 = vector.shape_cast %reduce_sum3A_277 : vector<1xf32> to vector<1x1x1xf32>
    %reduce_sum3A_279 = vector.extract %reduce_sum3A_278[0, 0, 0] : f32 from vector<1x1x1xf32>
    %convert_element_type3A_280 = arith.fptosi %reduce_sum3A_279 : f32 to i32
    %add3A_281 = arith.constant 256 : i32
    %add3A_282 = arith.addi %convert_element_type3A_280, %add3A_281 : i32
    %sub3A_283 = arith.constant 1 : i32
    %sub3A_284 = arith.subi %add3A_282, %sub3A_283 : i32
    %and3A_285 = arith.constant -256 : i32
    %and3A_286 = arith.andi %sub3A_284, %and3A_285 : i32
    %convert_element_type3A_287 = arith.sitofp %and3A_286 : i32 to f32
    %add3A_288 = arith.addf %add3A_253, %convert_element_type3A_287 : f32
    %ge3A = arith.constant 8 : i32
    %ge3A_289 = vector.broadcast %ge3A : i32 to vector<16x128xi32>
    %ge3A_290 = arith.cmpi sge, %get3A_1, %ge3A_289 : vector<16x128xi32>
    %jit3A_291 = arith.constant 1.000000e+00 : f32
    %jit3A_292 = arith.constant 0.000000e+00 : f32
    %broadcast_in_dim3A_293 = vector.broadcast %jit3A_291 : f32 to vector<16x128xf32>
    %broadcast_in_dim3A_294 = vector.broadcast %jit3A_292 : f32 to vector<16x128xf32>
    %select_n3A_295 = arith.select %ge3A_290, %broadcast_in_dim3A_293, %broadcast_in_dim3A_294 : vector<16x128xi1>, vector<16x128xf32>
    %dot_general3A_296 = arith.constant dense<0.000000e+00> : vector<16x128xf32>
    %dot_general3A_297 = tpu.matmul %select_n3A_295, %select_n3A, %dot_general3A_296 {dimension_numbers = #tpu.dot_dimension_numbers<[1], [0], [0], [1], [0, 0, 1, 1], [], []>, transpose_lhs_hint = false} : vector<16x128xf32>, vector<128x128xf32>, vector<16x128xf32> -> vector<16x128xf32>
    %reduce_sum3A_298 = arith.constant dense<0.000000e+00> : vector<16xf32>
    %reduce_sum3A_299 = vector.multi_reduction <add>, %select_n3A_295, %reduce_sum3A_298 [1] : vector<16x128xf32> to vector<16xf32>
    %broadcast_in_dim3A_300 = vector.shape_cast %reduce_sum3A_299 : vector<16xf32> to vector<16x1xf32>
    %dot_general3A_301 = arith.constant dense<0.000000e+00> : vector<16x1xf32>
    %dot_general3A_302 = tpu.matmul %select_n3A_12, %broadcast_in_dim3A_300, %dot_general3A_301 {dimension_numbers = #tpu.dot_dimension_numbers<[1], [0], [0], [1], [0, 0, 1, 1], [], []>, transpose_lhs_hint = false} : vector<16x16xf32>, vector<16x1xf32>, vector<16x1xf32> -> vector<16x1xf32>
    %add3A_303 = vector.broadcast %dot_general3A_302 : vector<16x1xf32> to vector<16x128xf32>
    %add3A_304 = arith.addf %add3A_303, %dot_general3A_297 : vector<16x128xf32>
    %add3A_305 = vector.broadcast %add3A_288 : f32 to vector<16x128xf32>
    %add3A_306 = arith.addf %add3A_305, %add3A_304 : vector<16x128xf32>
    %mul3A_307 = arith.mulf %select_n3A_295, %add3A_306 : vector<16x128xf32>
    %add3A_308 = arith.addf %add3A_274, %mul3A_307 : vector<16x128xf32>
    %reduce_sum3A_309 = vector.shape_cast %broadcast_in_dim3A_300 : vector<16x1xf32> to vector<1x16x1xf32>
    %reduce_sum3A_310 = arith.constant dense<0.000000e+00> : vector<1xf32>
    %reduce_sum3A_311 = vector.multi_reduction <add>, %reduce_sum3A_309, %reduce_sum3A_310 [1, 2] : vector<1x16x1xf32> to vector<1xf32>
    %reduce_sum3A_312 = vector.shape_cast %reduce_sum3A_311 : vector<1xf32> to vector<1x1x1xf32>
    %reduce_sum3A_313 = vector.extract %reduce_sum3A_312[0, 0, 0] : f32 from vector<1x1x1xf32>
    %convert_element_type3A_314 = arith.fptosi %reduce_sum3A_313 : f32 to i32
    %add3A_315 = arith.constant 256 : i32
    %add3A_316 = arith.addi %convert_element_type3A_314, %add3A_315 : i32
    %sub3A_317 = arith.constant 1 : i32
    %sub3A_318 = arith.subi %add3A_316, %sub3A_317 : i32
    %and3A_319 = arith.constant -256 : i32
    %and3A_320 = arith.andi %sub3A_318, %and3A_319 : i32
    %convert_element_type3A_321 = arith.sitofp %and3A_320 : i32 to f32
    %add3A_322 = arith.addf %add3A_288, %convert_element_type3A_321 : f32
    %convert_element_type3A_323 = arith.fptosi %add3A_308 : vector<16x128xf32> to vector<16x128xi32>
    %swap3A = arith.constant 0 : index
    %swap3A_324 = arith.constant 0 : index
    %swap3A_325 = vector.load %arg1[%swap3A, %swap3A_324] : memref<16x128xi32, #tpu.memory_space<vmem>>, vector<16x128xi32>
    tpu.vector_store %arg1[%swap3A, %swap3A_324], %convert_element_type3A_323 {strides = array<i32>} : memref<16x128xi32, #tpu.memory_space<vmem>>, vector<16x128xi32>,
    %iota3A_326 = tpu.iota {dimensions = array<i32: 1>} : vector<1x128xi32>
    %mul3A_327 = arith.constant 256 : i32
    %mul3A_328 = vector.broadcast %mul3A_327 : i32 to vector<1x128xi32>
    %mul3A_329 = arith.muli %iota3A_326, %mul3A_328 : vector<1x128xi32>
    %convert_element_type3A_330 = arith.sitofp %mul3A_329 : vector<1x128xi32> to vector<1x128xf32>
    %broadcast_in_dim3A_331 = arith.constant 0.000000e+00 : f32
    %broadcast_in_dim3A_332 = vector.broadcast %broadcast_in_dim3A_331 : f32 to vector<1x128xf32>
    %ge3A_333 = arith.constant 0.000000e+00 : f32
    %ge3A_334 = vector.broadcast %ge3A_333 : f32 to vector<1x128xf32>
    %ge3A_335 = arith.cmpf oge, %convert_element_type3A_330, %ge3A_334 : vector<1x128xf32>
    %jit3A_336 = arith.constant 1.000000e+00 : f32
    %jit3A_337 = arith.constant 0.000000e+00 : f32
    %broadcast_in_dim3A_338 = vector.broadcast %jit3A_336 : f32 to vector<1x128xf32>
    %broadcast_in_dim3A_339 = vector.broadcast %jit3A_337 : f32 to vector<1x128xf32>
    %select_n3A_340 = arith.select %ge3A_335, %broadcast_in_dim3A_338, %broadcast_in_dim3A_339 : vector<1x128xi1>, vector<1x128xf32>
    %add3A_341 = arith.addf %broadcast_in_dim3A_332, %select_n3A_340 : vector<1x128xf32>
    %ge3A_342 = vector.broadcast %add3A_43 : f32 to vector<1x128xf32>
    %ge3A_343 = arith.cmpf oge, %convert_element_type3A_330, %ge3A_342 : vector<1x128xf32>
    %jit3A_344 = arith.constant 1.000000e+00 : f32
    %jit3A_345 = arith.constant 0.000000e+00 : f32
    %broadcast_in_dim3A_346 = vector.broadcast %jit3A_344 : f32 to vector<1x128xf32>
    %broadcast_in_dim3A_347 = vector.broadcast %jit3A_345 : f32 to vector<1x128xf32>
    %select_n3A_348 = arith.select %ge3A_343, %broadcast_in_dim3A_346, %broadcast_in_dim3A_347 : vector<1x128xi1>, vector<1x128xf32>
    %add3A_349 = arith.addf %add3A_341, %select_n3A_348 : vector<1x128xf32>
    %ge3A_350 = vector.broadcast %add3A_78 : f32 to vector<1x128xf32>
    %ge3A_351 = arith.cmpf oge, %convert_element_type3A_330, %ge3A_350 : vector<1x128xf32>
    %jit3A_352 = arith.constant 1.000000e+00 : f32
    %jit3A_353 = arith.constant 0.000000e+00 : f32
    %broadcast_in_dim3A_354 = vector.broadcast %jit3A_352 : f32 to vector<1x128xf32>
    %broadcast_in_dim3A_355 = vector.broadcast %jit3A_353 : f32 to vector<1x128xf32>
    %select_n3A_356 = arith.select %ge3A_351, %broadcast_in_dim3A_354, %broadcast_in_dim3A_355 : vector<1x128xi1>, vector<1x128xf32>
    %add3A_357 = arith.addf %add3A_349, %select_n3A_356 : vector<1x128xf32>
    %ge3A_358 = vector.broadcast %add3A_113 : f32 to vector<1x128xf32>
    %ge3A_359 = arith.cmpf oge, %convert_element_type3A_330, %ge3A_358 : vector<1x128xf32>
    %jit3A_360 = arith.constant 1.000000e+00 : f32
    %jit3A_361 = arith.constant 0.000000e+00 : f32
    %broadcast_in_dim3A_362 = vector.broadcast %jit3A_360 : f32 to vector<1x128xf32>
    %broadcast_in_dim3A_363 = vector.broadcast %jit3A_361 : f32 to vector<1x128xf32>
    %select_n3A_364 = arith.select %ge3A_359, %broadcast_in_dim3A_362, %broadcast_in_dim3A_363 : vector<1x128xi1>, vector<1x128xf32>
    %add3A_365 = arith.addf %add3A_357, %select_n3A_364 : vector<1x128xf32>
    %ge3A_366 = vector.broadcast %add3A_148 : f32 to vector<1x128xf32>
    %ge3A_367 = arith.cmpf oge, %convert_element_type3A_330, %ge3A_366 : vector<1x128xf32>
    %jit3A_368 = arith.constant 1.000000e+00 : f32
    %jit3A_369 = arith.constant 0.000000e+00 : f32
    %broadcast_in_dim3A_370 = vector.broadcast %jit3A_368 : f32 to vector<1x128xf32>
    %broadcast_in_dim3A_371 = vector.broadcast %jit3A_369 : f32 to vector<1x128xf32>
    %select_n3A_372 = arith.select %ge3A_367, %broadcast_in_dim3A_370, %broadcast_in_dim3A_371 : vector<1x128xi1>, vector<1x128xf32>
    %add3A_373 = arith.addf %add3A_365, %select_n3A_372 : vector<1x128xf32>
    %ge3A_374 = vector.broadcast %add3A_183 : f32 to vector<1x128xf32>
    %ge3A_375 = arith.cmpf oge, %convert_element_type3A_330, %ge3A_374 : vector<1x128xf32>
    %jit3A_376 = arith.constant 1.000000e+00 : f32
    %jit3A_377 = arith.constant 0.000000e+00 : f32
    %broadcast_in_dim3A_378 = vector.broadcast %jit3A_376 : f32 to vector<1x128xf32>
    %broadcast_in_dim3A_379 = vector.broadcast %jit3A_377 : f32 to vector<1x128xf32>
    %select_n3A_380 = arith.select %ge3A_375, %broadcast_in_dim3A_378, %broadcast_in_dim3A_379 : vector<1x128xi1>, vector<1x128xf32>
    %add3A_381 = arith.addf %add3A_373, %select_n3A_380 : vector<1x128xf32>
    %ge3A_382 = vector.broadcast %add3A_218 : f32 to vector<1x128xf32>
    %ge3A_383 = arith.cmpf oge, %convert_element_type3A_330, %ge3A_382 : vector<1x128xf32>
    %jit3A_384 = arith.constant 1.000000e+00 : f32
    %jit3A_385 = arith.constant 0.000000e+00 : f32
    %broadcast_in_dim3A_386 = vector.broadcast %jit3A_384 : f32 to vector<1x128xf32>
    %broadcast_in_dim3A_387 = vector.broadcast %jit3A_385 : f32 to vector<1x128xf32>
    %select_n3A_388 = arith.select %ge3A_383, %broadcast_in_dim3A_386, %broadcast_in_dim3A_387 : vector<1x128xi1>, vector<1x128xf32>
    %add3A_389 = arith.addf %add3A_381, %select_n3A_388 : vector<1x128xf32>
    %ge3A_390 = vector.broadcast %add3A_253 : f32 to vector<1x128xf32>
    %ge3A_391 = arith.cmpf oge, %convert_element_type3A_330, %ge3A_390 : vector<1x128xf32>
    %jit3A_392 = arith.constant 1.000000e+00 : f32
    %jit3A_393 = arith.constant 0.000000e+00 : f32
    %broadcast_in_dim3A_394 = vector.broadcast %jit3A_392 : f32 to vector<1x128xf32>
    %broadcast_in_dim3A_395 = vector.broadcast %jit3A_393 : f32 to vector<1x128xf32>
    %select_n3A_396 = arith.select %ge3A_391, %broadcast_in_dim3A_394, %broadcast_in_dim3A_395 : vector<1x128xi1>, vector<1x128xf32>
    %add3A_397 = arith.addf %add3A_389, %select_n3A_396 : vector<1x128xf32>
    %ge3A_398 = vector.broadcast %add3A_288 : f32 to vector<1x128xf32>
    %ge3A_399 = arith.cmpf oge, %convert_element_type3A_330, %ge3A_398 : vector<1x128xf32>
    %jit3A_400 = arith.constant 1.000000e+00 : f32
    %jit3A_401 = arith.constant 0.000000e+00 : f32
    %broadcast_in_dim3A_402 = vector.broadcast %jit3A_400 : f32 to vector<1x128xf32>
    %broadcast_in_dim3A_403 = vector.broadcast %jit3A_401 : f32 to vector<1x128xf32>
    %select_n3A_404 = arith.select %ge3A_399, %broadcast_in_dim3A_402, %broadcast_in_dim3A_403 : vector<1x128xi1>, vector<1x128xf32>
    %add3A_405 = arith.addf %add3A_397, %select_n3A_404 : vector<1x128xf32>
    %ge3A_406 = vector.broadcast %add3A_322 : f32 to vector<1x128xf32>
    %ge3A_407 = arith.cmpf oge, %convert_element_type3A_330, %ge3A_406 : vector<1x128xf32>
    %jit3A_408 = arith.constant 1.000000e+00 : f32
    %jit3A_409 = arith.constant 0.000000e+00 : f32
    %broadcast_in_dim3A_410 = vector.broadcast %jit3A_408 : f32 to vector<1x128xf32>
    %broadcast_in_dim3A_411 = vector.broadcast %jit3A_409 : f32 to vector<1x128xf32>
    %select_n3A_412 = arith.select %ge3A_407, %broadcast_in_dim3A_410, %broadcast_in_dim3A_411 : vector<1x128xi1>, vector<1x128xf32>
    %add3A_413 = arith.addf %add3A_405, %select_n3A_412 : vector<1x128xf32>
    %sub3A_414 = arith.constant 1.000000e+00 : f32
    %sub3A_415 = vector.broadcast %sub3A_414 : f32 to vector<1x128xf32>
    %sub3A_416 = arith.subf %add3A_413, %sub3A_415 : vector<1x128xf32>
    %convert_element_type3A_417 = arith.fptosi %sub3A_416 : vector<1x128xf32> to vector<1x128xi32>
    %swap3A_418 = arith.constant 0 : index
    %swap3A_419 = arith.constant 0 : index
    %swap3A_420 = vector.load %arg2[%swap3A_418, %swap3A_419] : memref<1x128xi32, #tpu.memory_space<vmem>>, vector<1x128xi32>
    tpu.vector_store %arg2[%swap3A_418, %swap3A_419], %convert_element_type3A_417 {strides = array<i32>} : memref<1x128xi32, #tpu.memory_space<vmem>>, vector<1x128xi32>,
    return
  }
}

module attributes {stable_mosaic.version = 14 : i64} {
  func.func @_ffn_body(%arg0: i32, %arg1: memref<128xi32, #tpu.memory_space<smem>>, %arg2: memref<256x768xf32, #tpu.memory_space<vmem>>, %arg3: memref<256x128xf32, #tpu.memory_space<vmem>>, %arg4: memref<1x1024x768xf32, #tpu.memory_space<vmem>>, %arg5: memref<1x1024x768xf32, #tpu.memory_space<vmem>>, %arg6: memref<1x768x1024xf32, #tpu.memory_space<vmem>>, %arg7: memref<256x768xf32, #tpu.memory_space<vmem>>) attributes {dimension_semantics = [#tpu.dimension_semantics<arbitrary>], iteration_bounds = array<i64: 16>, scalar_prefetch = 1 : i64, scratch_operands = 0 : i64, tpu.core_type = #tpu.core_type<tc>, window_params = [{transform_indices = @transform_0, window_bounds = array<i64: 256, 768>}, {transform_indices = @transform_1, window_bounds = array<i64: 256, 128>}, {transform_indices = @transform_2, window_bounds = array<i64: 1, 1024, 768>}, {transform_indices = @transform_3, window_bounds = array<i64: 1, 1024, 768>}, {transform_indices = @transform_4, window_bounds = array<i64: 1, 768, 1024>}, {transform_indices = @transform_5, window_bounds = array<i64: 256, 768>}]} {
    %get3A = arith.index_cast %arg0 : i32 to index
    %get3A_0 = memref.load %arg1[%get3A] : memref<128xi32, #tpu.memory_space<smem>>
    %get3A_1 = arith.constant 0 : index
    %get3A_2 = arith.constant 0 : index
    %get3A_3 = vector.load %arg3[%get3A_1, %get3A_2] : memref<256x128xf32, #tpu.memory_space<vmem>>, vector<256x1xf32>
    %lt3A = arith.constant 8 : i32
    %lt3A_4 = arith.cmpi slt, %get3A_0, %lt3A : i32
    %convert_element_type3A = arith.extui %lt3A_4 : i1 to i32
    %cond3A = arith.constant 0 : i32
    %cond3A_5 = arith.cmpi ne, %convert_element_type3A, %cond3A : i32
    scf.if %cond3A_5 {
      %get3A_10 = arith.constant 0 : index
      %get3A_11 = arith.constant 0 : index
      %get3A_12 = vector.load %arg2[%get3A_10, %get3A_11] : memref<256x768xf32, #tpu.memory_space<vmem>>, vector<256x768xf32>
      %get3A_13 = arith.constant 0 : index
      %get3A_14 = arith.constant 0 : index
      %get3A_15 = arith.constant 0 : index
      %get3A_16 = vector.load %arg4[%get3A_13, %get3A_14, %get3A_15] : memref<1x1024x768xf32, #tpu.memory_space<vmem>>, vector<1x1024x768xf32>
      %get3A_17 = vector.shape_cast %get3A_16 : vector<1x1024x768xf32> to vector<1024x768xf32>
      %dot_general3A = arith.constant dense<0.000000e+00> : vector<256x1024xf32>
      %dot_general3A_18 = tpu.matmul %get3A_12, %get3A_17, %dot_general3A {dimension_numbers = #tpu.dot_dimension_numbers<[1], [1], [0], [0], [0, 0, 1, 0], [], []>, transpose_lhs_hint = false} : vector<256x768xf32>, vector<1024x768xf32>, vector<256x1024xf32> -> vector<256x1024xf32>
      %get3A_19 = arith.constant 0 : index
      %get3A_20 = arith.constant 0 : index
      %get3A_21 = vector.load %arg2[%get3A_19, %get3A_20] : memref<256x768xf32, #tpu.memory_space<vmem>>, vector<256x768xf32>
      %get3A_22 = arith.constant 0 : index
      %get3A_23 = arith.constant 0 : index
      %get3A_24 = arith.constant 0 : index
      %get3A_25 = vector.load %arg5[%get3A_22, %get3A_23, %get3A_24] : memref<1x1024x768xf32, #tpu.memory_space<vmem>>, vector<1x1024x768xf32>
      %get3A_26 = vector.shape_cast %get3A_25 : vector<1x1024x768xf32> to vector<1024x768xf32>
      %dot_general3A_27 = arith.constant dense<0.000000e+00> : vector<256x1024xf32>
      %dot_general3A_28 = tpu.matmul %get3A_21, %get3A_26, %dot_general3A_27 {dimension_numbers = #tpu.dot_dimension_numbers<[1], [1], [0], [0], [0, 0, 1, 0], [], []>, transpose_lhs_hint = false} : vector<256x768xf32>, vector<1024x768xf32>, vector<256x1024xf32> -> vector<256x1024xf32>
      %logistic3A = arith.negf %dot_general3A_18 : vector<256x1024xf32>
      %logistic3A_29 = math.exp %logistic3A : vector<256x1024xf32>
      %logistic3A_30 = arith.constant 1.000000e+00 : f32
      %logistic3A_31 = vector.broadcast %logistic3A_30 : f32 to vector<256x1024xf32>
      %logistic3A_32 = arith.addf %logistic3A_31, %logistic3A_29 : vector<256x1024xf32>
      %logistic3A_33 = arith.divf %logistic3A_31, %logistic3A_32 : vector<256x1024xf32>
      %mul3A = arith.mulf %dot_general3A_18, %logistic3A_33 : vector<256x1024xf32>
      %mul3A_34 = arith.mulf %mul3A, %dot_general3A_28 : vector<256x1024xf32>
      %get3A_35 = arith.constant 0 : index
      %get3A_36 = arith.constant 0 : index
      %get3A_37 = arith.constant 0 : index
      %get3A_38 = vector.load %arg6[%get3A_35, %get3A_36, %get3A_37] : memref<1x768x1024xf32, #tpu.memory_space<vmem>>, vector<1x768x1024xf32>
      %get3A_39 = vector.shape_cast %get3A_38 : vector<1x768x1024xf32> to vector<768x1024xf32>
      %dot_general3A_40 = arith.constant dense<0.000000e+00> : vector<256x768xf32>
      %dot_general3A_41 = tpu.matmul %mul3A_34, %get3A_39, %dot_general3A_40 {dimension_numbers = #tpu.dot_dimension_numbers<[1], [1], [0], [0], [0, 0, 1, 0], [], []>, transpose_lhs_hint = false} : vector<256x1024xf32>, vector<768x1024xf32>, vector<256x768xf32> -> vector<256x768xf32>
      %mul3A_42 = vector.broadcast %get3A_3 : vector<256x1xf32> to vector<256x768xf32>
      %mul3A_43 = arith.mulf %mul3A_42, %dot_general3A_41 : vector<256x768xf32>
      %swap3A = arith.constant 0 : index
      %swap3A_44 = arith.constant 0 : index
      %swap3A_45 = vector.load %arg7[%swap3A, %swap3A_44] : memref<256x768xf32, #tpu.memory_space<vmem>>, vector<256x768xf32>
      tpu.vector_store %arg7[%swap3A, %swap3A_44], %mul3A_43 {strides = array<i32>} : memref<256x768xf32, #tpu.memory_space<vmem>>, vector<256x768xf32>,
    } else {
    }
    %ge3A = arith.constant 8 : i32
    %ge3A_6 = arith.cmpi sge, %get3A_0, %ge3A : i32
    %convert_element_type3A_7 = arith.extui %ge3A_6 : i1 to i32
    %cond3A_8 = arith.constant 0 : i32
    %cond3A_9 = arith.cmpi ne, %convert_element_type3A_7, %cond3A_8 : i32
    scf.if %cond3A_9 {
      %get3A_10 = arith.constant 0 : index
      %get3A_11 = arith.constant 0 : index
      %get3A_12 = vector.load %arg2[%get3A_10, %get3A_11] : memref<256x768xf32, #tpu.memory_space<vmem>>, vector<256x768xf32>
      %mul3A = vector.broadcast %get3A_3 : vector<256x1xf32> to vector<256x768xf32>
      %mul3A_13 = arith.mulf %mul3A, %get3A_12 : vector<256x768xf32>
      %swap3A = arith.constant 0 : index
      %swap3A_14 = arith.constant 0 : index
      %swap3A_15 = vector.load %arg7[%swap3A, %swap3A_14] : memref<256x768xf32, #tpu.memory_space<vmem>>, vector<256x768xf32>
      tpu.vector_store %arg7[%swap3A, %swap3A_14], %mul3A_13 {strides = array<i32>} : memref<256x768xf32, #tpu.memory_space<vmem>>, vector<256x768xf32>,
    } else {
    }
    return
  }
  func.func @transform_0(%arg0: i32, %arg1: memref<128xi32, #tpu.memory_space<smem>>) -> (i32, i32) {
    %get3A = arith.index_cast %arg0 : i32 to index
    %get3A_0 = memref.load %arg1[%get3A] : memref<128xi32, #tpu.memory_space<smem>>
    %gt3A = arith.constant 8 : i32
    %gt3A_1 = arith.cmpi sgt, %get3A_0, %gt3A : i32
    %jit3A = arith.constant 15 : i32
    %select_n3A = arith.select %gt3A_1, %jit3A, %arg0 : i32
    %c0_i32 = arith.constant 0 : i32
    %c0_i32_2 = arith.constant 0 : i32
    return %select_n3A, %c0_i32 : i32, i32
  }
  func.func @transform_1(%arg0: i32, %arg1: memref<128xi32, #tpu.memory_space<smem>>) -> (i32, i32) {
    %get3A = arith.index_cast %arg0 : i32 to index
    %get3A_0 = memref.load %arg1[%get3A] : memref<128xi32, #tpu.memory_space<smem>>
    %gt3A = arith.constant 8 : i32
    %gt3A_1 = arith.cmpi sgt, %get3A_0, %gt3A : i32
    %jit3A = arith.constant 15 : i32
    %select_n3A = arith.select %gt3A_1, %jit3A, %arg0 : i32
    %c0_i32 = arith.constant 0 : i32
    %c0_i32_2 = arith.constant 0 : i32
    return %select_n3A, %c0_i32 : i32, i32
  }
  func.func @transform_2(%arg0: i32, %arg1: memref<128xi32, #tpu.memory_space<smem>>) -> (i32, i32, i32) {
    %get3A = arith.index_cast %arg0 : i32 to index
    %get3A_0 = memref.load %arg1[%get3A] : memref<128xi32, #tpu.memory_space<smem>>
    %min3A = arith.constant 7 : i32
    %min3A_1 = arith.minsi %get3A_0, %min3A : i32
    %c0_i32 = arith.constant 0 : i32
    %c0_i32_2 = arith.constant 0 : i32
    %c0_i32_3 = arith.constant 0 : i32
    return %min3A_1, %c0_i32, %c0_i32_2 : i32, i32, i32
  }
  func.func @transform_3(%arg0: i32, %arg1: memref<128xi32, #tpu.memory_space<smem>>) -> (i32, i32, i32) {
    %get3A = arith.index_cast %arg0 : i32 to index
    %get3A_0 = memref.load %arg1[%get3A] : memref<128xi32, #tpu.memory_space<smem>>
    %min3A = arith.constant 7 : i32
    %min3A_1 = arith.minsi %get3A_0, %min3A : i32
    %c1_i32 = arith.constant 1 : i32
    %c0_i32 = arith.constant 0 : i32
    %c0_i32_2 = arith.constant 0 : i32
    return %min3A_1, %c1_i32, %c0_i32 : i32, i32, i32
  }
  func.func @transform_4(%arg0: i32, %arg1: memref<128xi32, #tpu.memory_space<smem>>) -> (i32, i32, i32) {
    %get3A = arith.index_cast %arg0 : i32 to index
    %get3A_0 = memref.load %arg1[%get3A] : memref<128xi32, #tpu.memory_space<smem>>
    %min3A = arith.constant 7 : i32
    %min3A_1 = arith.minsi %get3A_0, %min3A : i32
    %c0_i32 = arith.constant 0 : i32
    %c0_i32_2 = arith.constant 0 : i32
    %c0_i32_3 = arith.constant 0 : i32
    return %min3A_1, %c0_i32, %c0_i32_2 : i32, i32, i32
  }
  func.func @transform_5(%arg0: i32, %arg1: memref<128xi32, #tpu.memory_space<smem>>) -> (i32, i32) {
    %get3A = arith.index_cast %arg0 : i32 to index
    %get3A_0 = memref.load %arg1[%get3A] : memref<128xi32, #tpu.memory_space<smem>>
    %gt3A = arith.constant 8 : i32
    %gt3A_1 = arith.cmpi sgt, %get3A_0, %gt3A : i32
    %jit3A = arith.constant 15 : i32
    %select_n3A = arith.select %gt3A_1, %jit3A, %arg0 : i32
    %c0_i32 = arith.constant 0 : i32
    %c0_i32_2 = arith.constant 0 : i32
    return %select_n3A, %c0_i32 : i32, i32
  }
}

</mosaic_0001>

<sc_bundles>
// kernel: kernel.6.cloned.1.call-start
scs
__scs_entry_jumppad:
0x0: {  	(pc) =	sbr.rel $0x88, $3  }
0x1: {  	(tag) =	ssettag $0x0;
	lr =	simm.s32 $0x1  }
0x2: {  	[smem:$0x3F9C] =	sst lr;
	_ =	strace $0xD0000000  }
0x3: {  	_ = 	snop  }
0x4: {  	_ = 	snop  }
0x5: {  	_ = 	snop  }
0x6: {  	_ = 	snop  }
0x7: {  	_ = 	snop  }
__scs_overlays_trampoline_lowered:
0x8: {  	[smem:$0x3FAB] =	sst s0  }
0x9: {  	[smem:$0x3FAC] =	sst s1  }
0xa: {  	[smem:$0x3FAD] =	sst s2  }
0xb: {  	[smem:$0x3FAE] =	sst s3  }
0xc: {  	[smem:$0x3FAF] =	sst s4  }
0xd: {  	[smem:$0x3FB0] =	sst s5  }
0xe: {  	[smem:$0x3FB1] =	sst s6  }
0xf: {  	[smem:$0x3FB2] =	sst s7  }
0x10: {  	[smem:$0x3FB3] =	sst s8  }
0x11: {  	[smem:$0x3FB4] =	sst s9;
	s0 =	simm.s32 @!p0 $0x0  }
0x12: {  	s1 =	sld [smem:$0x3F9A];
	s0 =	simm.s32 @p0 $0x1  }
0x13: {  	[smem:$0x3FB5] =	sst s0;
	s0 =	simm.s32 @!p1 $0x0  }
0x14: {  	s2 =	sld [smem:$0x3F99];
	s0 =	simm.s32 @p1 $0x1  }
0x15: {  	[smem:$0x3FB6] =	sst s0;
	s0 =	simm.s32 @!p2 $0x0  }
0x16: {  	s3 =	sld [smem:$0x3FDB];
	s0 =	simm.s32 @p2 $0x1  }
0x17: {  	s4 =	simm.s32 $0x1BF5;
	[smem:$0x3FB8] =	sst s0  }
0x18: {  	s0 =	sld [smem:$0x3F9B];
	_ =	swait.ge [sflag:s4], $0x0  }
0x19: {  	s7 =	sld [smem:$0x3F9C]  }
0x1a: {  	s8 =	sadd.s32 $0xFFFFE003, lr  }
0x1b: {  	s9 =	sadd.s32 $0xFFFFFEF7, lr;
	s5 =	simm.s32 $0xFFFFFFFF;
	p2 =	slt.u32 s8, $0xFFFFF086  }
0x1c: {  	p1 =	slt.u32 s9, $0xF7A;
	s5 =	simm.s32 @!p2 $0x0  }
0x1d: {  	s5 =	simm.s32 @p1 $0x1;
	p0 =	seq.s32 s7, s2  }
0x1e: {  	s7 =	smul.u32 @!p0 $0xF7A, s2;
	p2 =	seq.s32 @!p0 s5, $0x0  }
0x1f: {  	s9 =	smul.u32 $0xF7A, s1;
	s8 =	simm.s32 @!p0 $0x1BF5;
	p2 =	por !p2, p0  }
0x20: {  	[sflag:s8] =	ssyncset.s32 @!p0 $0xFFFFF086;
	s6 =	sadd.s32 @!p0 s3, s7;
	s7 =	simm.s32 @!p0 $0x108  }
0x21: {  	s3 =	sadd.s32 s3, s9;
	s6 =	sadd.s32 @!p0 $0x88, s6;
	s7 =	simm.s32 @p2 $0x1082  }
0x22: {  	[simem:s7], [sflag:s8] =	dma.local @!p0 [hbm:s6], $0xF7A  }
0x23: {  	s9 =	sor.u32 $0xD0000000, s2;
	s6 =	simm.s32 $0x108;
	_ =	swait.ge @!p0 [sflag:s8], $0x0  }
0x24: {  	s3 =	sadd.s32 $0x88, s3;
	s6 =	simm.s32 @!p1 $0x1082;
	[sflag:s4] =	ssyncset.s32 $0xFFFFF086  }
0x25: {  	[simem:s6], [sflag:s4] =	dma.local [hbm:s3], $0xF7A  }
0x26: {  	[smem:$0x3F9C] =	sst s1;
	(tag) =	ssettag s2;
	_ =	strace s9  }
0x27: {  	s1 =	sld [smem:$0x3FAC]  }
0x28: {  	s2 =	sld [smem:$0x3FAD]  }
0x29: {  	s4 =	sld [smem:$0x3FAF]  }
0x2a: {  	p0 =	seq.s32 s5, $0x0;
	s5 =	sld [smem:$0x3FB0]  }
0x2b: {  	s6 =	sld [smem:$0x3FB1]  }
0x2c: {  	s7 =	sld [smem:$0x3FB2]  }
0x2d: {  	s3 =	simm.s32 $0x108;
	s8 =	sld [smem:$0x3FB3]  }
0x2e: {  	s3 =	simm.s32 @!p0 $0x1082;
	s9 =	sld [smem:$0x3FB4]  }
0x2f: {  	lr =	sadd.s32 s0, s3;
	s0 =	sld [smem:$0x3FAB]  }
0x30: {  	s3 =	sld [smem:$0x3FAE]  }
0x31: {  	[smem:$0x3FB7] =	sst s10  }
0x32: {  	s10 =	sld [smem:$0x3FB5];
	_ =	sdelay $0x3  }
0x33: {  	p0 =	seq.s32 s10, $0x1;
	s10 =	sld [smem:$0x3FB7];
	_ =	sdelay $0x3  }
0x34: {  	[smem:$0x3FB7] =	sst s10  }
0x35: {  	s10 =	sld [smem:$0x3FB6];
	_ =	sdelay $0x3  }
0x36: {  	p1 =	seq.s32 s10, $0x1;
	s10 =	sld [smem:$0x3FB7];
	_ =	sdelay $0x3  }
0x37: {  	[smem:$0x3FB7] =	sst s10  }
0x38: {  	s10 =	sld [smem:$0x3FB8]  }
0x39: {  	_ = 	snop;
	(pc) =	sbr.ind lr, $3  }
0x3a: {  	_ = 	snop  }
0x3b: {  	_ = 	snop  }
0x3c: {  	p2 =	seq.s32 s10, $0x1;
	s10 =	sld [smem:$0x3FB7]  }
0x3d: {  	_ =	shalt  }
0x3e: {  	_ =	shalt  }
0x3f: {  	_ =	shalt  }
0x40: {  	_ =	shalt  }
0x41: {  	_ =	shalt  }
0x42: {  	_ =	shalt  }
0x43: {  	_ =	shalt  }
0x44: {  	_ =	shalt  }
0x45: {  	_ =	shalt  }
0x46: {  	_ =	shalt  }
0x47: {  	_ =	shalt  }
0x48: {  	_ =	shalt  }
0x49: {  	_ =	shalt  }
0x4a: {  	_ =	shalt  }
0x4b: {  	_ =	shalt  }
0x4c: {  	_ =	shalt  }
0x4d: {  	_ =	shalt  }
0x4e: {  	_ =	shalt  }
0x4f: {  	_ =	shalt  }
0x50: {  	_ =	shalt  }
0x51: {  	_ =	shalt  }
0x52: {  	_ =	shalt  }
0x53: {  	_ =	shalt  }
0x54: {  	_ =	shalt  }
0x55: {  	_ =	shalt  }
0x56: {  	_ =	shalt  }
0x57: {  	_ =	shalt  }
0x58: {  	_ =	shalt  }
0x59: {  	_ =	shalt  }
0x5a: {  	_ =	shalt  }
0x5b: {  	_ =	shalt  }
0x5c: {  	_ =	shalt  }
0x5d: {  	_ =	shalt  }
0x5e: {  	_ =	shalt  }
0x5f: {  	_ =	shalt  }
0x60: {  	_ =	shalt  }
0x61: {  	_ =	shalt  }
0x62: {  	_ =	shalt  }
0x63: {  	_ =	shalt  }
0x64: {  	_ =	shalt  }
0x65: {  	_ =	shalt  }
0x66: {  	_ =	shalt  }
0x67: {  	_ =	shalt  }
0x68: {  	_ =	shalt  }
0x69: {  	_ =	shalt  }
0x6a: {  	_ =	shalt  }
0x6b: {  	_ =	shalt  }
0x6c: {  	_ =	shalt  }
0x6d: {  	_ =	shalt  }
0x6e: {  	_ =	shalt  }
0x6f: {  	_ =	shalt  }
0x70: {  	_ =	shalt  }
0x71: {  	_ =	shalt  }
0x72: {  	_ =	shalt  }
0x73: {  	_ =	shalt  }
0x74: {  	_ =	shalt  }
0x75: {  	_ =	shalt  }
0x76: {  	_ =	shalt  }
0x77: {  	_ =	shalt  }
0x78: {  	_ =	shalt  }
0x79: {  	_ =	shalt  }
0x7a: {  	_ =	shalt  }
0x7b: {  	_ =	shalt  }
0x7c: {  	_ =	shalt  }
0x7d: {  	_ =	shalt  }
0x7e: {  	_ =	shalt  }
0x7f: {  	_ =	shalt  }
0x80: {  	_ =	shalt  }
0x81: {  	_ =	shalt  }
0x82: {  	_ =	shalt  }
0x83: {  	_ =	shalt  }
0x84: {  	_ =	shalt  }
0x85: {  	_ =	shalt  }
0x86: {  	_ =	shalt  }
0x87: {  	_ =	shalt  }
.Lfunc_end0:
.L_simem_size_0:
called_computation_lowered:
.L_overlay_start_0:
0x88: {  	s2 =	sld [smem:$0x3FD9]  }
0x89: {  	s3 =	sld [smem:$0x3FFE];
	_ =	sdelay $0x1  }
0x8a: {  	s1 =	srdreg.scid  }
0x8b: {  	s0 =	sand.u32 $0x1, s1  }
0x8c: {  	s17 =	sshll.u32 s0, $0xA;
	s2 =	sadd.s32 s3, s2  }
0x8d: {  	s2 =	sadd.s32 s2, s17  }
0x8e: {  	[smem:$0x3FC3] =	sst s2  }
0x8f: {  	_ = 	snop  }
0x90: {  	s2 =	sld [smem:$0x3FC9]  }
0x91: {  	s18 =	sld [smem:$0x3FD0];
	(tm) =	ssettm $0x1  }
0x92: {  	s4 =	sld [smem:$0x3FFB];
	_ =	sdelay $0x3  }
0x93: {  	_ =	strace s4  }
0x94: {  	s4 =	sld [smem:$0x3FFC];
	_ =	sdelay $0x3  }
0x95: {  	_ =	strace s4  }
0x96: {  	s4 =	sld [smem:$0x3FFD];
	_ =	sdelay $0x3  }
0x97: {  	_ =	strace s4  }
0x98: {  	_ =	strace $0x8FFFFFFF  }
0x99: {  	s19 =	sld [smem:$0x3FDB];
	_ =	sdelay $0x1  }
0x9a: {  	s5 =	simm.s32 $_scs_section_size  }
0x9b: {  	s6 =	simm.s32 $_size__tile_overlayer_lowered;
	s7 =	simm.s32 $_tile_overlayer_lowered  }
0x9c: {  	s22 =	simm.s32 $0x1BFF;
	s21 =	sshll.u32 s7, $0x1;
	s4 =	sadd.s32 s5, s19  }
0x9d: {  	s8 =	simm.s32 $0x0;
	s20 =	sshll.u32 s6, $0x1;
	s6 =	sadd.s32 s21, s4  }
0x9e: {  	[timem:s8], [sflag:s22] =	dma.local [hbm:s6], s20  }
0x9f: {  	_ =	swait.ge [sflag:s22], s20  }
0xa0: {  	s5 =	ssub.s32 $0x0, s20;
	[sflag:s22] =	ssyncset.done $0x0  }
0xa1: {  	[sflag:s22] =	ssyncadd.s32 s5;
	_ =	sdelay $0x1  }
0xa2: {  	s23 =	simm.s32 $0x1B8B  }
0xa3: {  	_ =	swait.ge [sflag:s23], $0x1  }
0xa4: {  	[sflag:s23] =	ssyncset.done $0x0  }
0xa5: {  	s25 =	simm.s32 $0x1B8E;
	s24 =	sld [smem:$0x3FFE];
	[sflag:s23] =	ssyncadd.s32 $0xFFFFFFFF  }
0xa6: {  	s26 =	simm.s32 $execute0_lowered;
	[smem:$0x3FD2] =	sst s25  }
0xa7: {  	s6 =	sshll.u32 s26, $0x1;
	_ =	strace $0x80000046;
	[dreg:$0x1] =	wrdreg $0xFFFFFFFF  }
0xa8: {  	s28 =	simm.s32 $_size_execute0_lowered;
	s4 =	sadd.s32 s4, s6;
	[dreg:$0x0] =	wrdreg $0x0  }
0xa9: {  	s6 =	sshll.u32 s28, $0x1;
	[dreg:$0x2] =	wrdreg s4  }
0xaa: {  	[dreg:$0x3] =	wrdreg s6  }
0xab: {  	[dreg:$0x4] =	wrdreg $0xC0  }
0xac: {  	_ =	task [dreg:s8], $0x5FFFF  }
0xad: {  	[dreg:$0x1] =	wrdreg $0xFFFFFFFF  }
0xae: {  	[dreg:$0x0] =	wrdreg $0x60  }
0xaf: {  	[dreg:$0x2] =	wrdreg s2  }
0xb0: {  	[dreg:$0x3] =	wrdreg s24  }
0xb1: {  	[dreg:$0x4] =	wrdreg s18  }
0xb2: {  	[dreg:$0x5] =	wrdreg $0x9  }
0xb3: {  	_ =	task.clear_ibuf [dreg:s8], $0x6FFFF;
	_ =	strace $0x90000046  }
0xb4: {  	s29 =	simm.s32 $0x9;
	_ =	strace $0x80000048  }
0xb5: {  	_ =	swait.ge [sflag:s29], $0x1  }
0xb6: {  	[sflag:s29] =	ssyncadd.s32 $0xFFFFFFFF  }
0xb7: {  	_ =	strace $0x90000048  }
0xb8: {  	_ =	sfence  }
0xb9: {  	s30 =	sld [smem:$0x0];
	_ =	sdelay $0x2  }
0xba: {  	s31 =	sshll.u32 s1, $0xD;
	s1 =	sshrl.u32 s1, $0x2  }
0xbb: {  	s3 =	sand.u32 $0x4000, s31;
	s1 =	sadd.s32 s1, s30  }
0xbc: {  	s0 =	sor.u32 s3, s0;
	s1 =	sshll.u32 s1, $0x11  }
0xbd: {  	s0 =	sor.u32 s1, s0  }
0xbe: {  	s0 =	sadd.s32 $0x8F2B, s0  }
0xbf: {  	[sflag:s0] =	ssyncadd.remote.s32 $0x1  }
0xc0: {  	_ =	sfence.sel $0xFFFF  }
0xc1: {  	[dreg:$0x0] =	wrdreg $0xFFFFFFFF;
	(pc) =	sbr.abs _section_cstart, $3  }
0xc2: {  	[dreg:$0x1] =	wrdreg $0xFFFFFFFF  }
0xc3: {  	_ =	task.clear_ibuf [dreg:s8], $0x2FFFF;
	_ =	strace $0x9FFFFFFF  }
0xc4: {  	(tm) =	ssettm $0x7FFFFFFF  }
0xc5: {  	_ =	shalt  }
tec
execute0_lowered:
.L_overlay_start_1:
0x0: {  	(tag) =	ssettag $0x1  }
0x1: {  	s1 =	rddreg [dreg:$0x0];
	s2 =	srdreg.scid  }
0x2: {  	s6 =	rddreg [dreg:$0x1];
	s0 =	stileid.u32  }
0x3: {  	s19 =	simm.s32 $0x900;
	s20 =	simm.s32 $0x1100;
	s21 =	simm.s32 $0x1900  }
0x4: {  	s22 =	simm.s32 $0x2100;
	s23 =	simm.s32 $0x2900;
	s24 =	simm.s32 $0x3100  }
0x5: {  	s25 =	simm.s32 $0x3900;
	s26 =	simm.s32 $0x4100;
	s28 =	simm.s32 $0xA900  }
0x6: {  	s29 =	simm.s32 $0xB100;
	s30 =	simm.s32 $0xB900;
	s5 =	sand.u32 $0x1, s2  }
0x7: {  	s31 =	simm.s32 $0x3;
	s3 =	sshll.u32 s0, $0x7;
	s4 =	sshll.u32 s5, $0x6  }
0x8: {  	s2 =	rddreg [dreg:$0x2];
	s4 =	sor.u32 s4, s3;
	s3 =	simm.s32 $0x0  }
0x9: {  	s12 =	sadd.s32 $0x1800, s6;
	s13 =	sadd.s32 $0x1600, s6;
	[smem:$0x7FF] =	sst s3  }
0xa: {  	s5 =	ssub.s32 $0x2, s5;
	_ =	strace $0x80000047;
	[dreg:$0xa] =	wrdreg s19  }
0xb: {  	s17 =	sshrl.u32 s5, $0x1;
	s7 =	sshrl.u32 s4, $0x3;
	[dreg:$0xb] =	wrdreg s20  }
0xc: {  	s8 =	sor.u32 $0x20, s4;
	s4 =	sshll.u32 s4, $0x4;
	[dreg:$0xc] =	wrdreg s21  }
0xd: {  	s9 =	smul.u32 $0x300, s7;
	s10 =	sshrl.u32 s8, $0x3;
	[dreg:$0xd] =	wrdreg s22  }
0xe: {  	s14 =	sadd.s32 s12, s4;
	s8 =	sshll.u32 s8, $0x4;
	[dreg:$0xe] =	wrdreg s23  }
0xf: {  	s4 =	sadd.s32 $0x9800, s6;
	s16 =	sadd.s32 s13, s7;
	[dreg:$0xf] =	wrdreg s24  }
0x10: {  	s7 =	ssub.s32 s5, s17;
	s5 =	sadd.s32 $0x9900, s6;
	[dreg:$0x10] =	wrdreg s25  }
0x11: {  	s6 =	sadd.s32 $0x9A00, s6;
	[dreg:$0x11] =	wrdreg s26;
	s17 =	simm.s32 $0x5900  }
0x12: {  	s19 =	simm.s32 $0x6900;
	s20 =	simm.s32 $0x7100;
	s21 =	simm.s32 $0x7900  }
0x13: {  	s22 =	simm.s32 $0x8100;
	s23 =	simm.s32 $0x8900;
	s24 =	simm.s32 $0x9100  }
0x14: {  	s25 =	simm.s32 $0x9900;
	s26 =	simm.s32 $0xA100;
	[dreg:$0x6] =	wrdreg s14  }
0x15: {  	s11 =	smul.u32 $0x300, s10;
	s15 =	sadd.s32 s12, s8;
	[dreg:$0x8] =	wrdreg s16  }
0x16: {  	s18 =	sadd.s32 s13, s10;
	s7 =	smax.u32 s7, $0x1;
	s8 =	simm.s32 $0x100  }
0x17: {  	s10 =	simm.s32 $0xC100;
	s12 =	simm.s32 $0x4;
	s13 =	simm.s32 $0x80  }
0x18: {  	s14 =	simm.s32 $0x1;
	s16 =	simm.s32 $0x5100;
	[dreg:$0x7] =	wrdreg s15  }
0x19: {  	v2 =	vlaneseq.u32;
	s9 =	sadd.s32 s1, s9;
	[dreg:$0x9] =	wrdreg s18;
	s18 =	simm.s32 $0x2  }
0x1a: {  	vm0 =	vmmov $0xffff;
	v1 =	vshrl.u32 v2, $0x3;
	[dreg:$0x4] =	wrdreg s9;
	s1 =	sadd.s32 s1, s11;
	s9 =	simm.s32 $0x6100  }
0x1b: {  	v0 =	vand.u32 $0x7, v2;
	v2 =	vor.u32 $0x8, v2;
	v1 =	vmul.u32 $0x8, v1;
	s11 =	simm.s32 $0xD100;
	[dreg:$0x5] =	wrdreg s1;
	s1 =	simm.s32 $0x20  }
.LBB2_1:
0x1c: {  	s0 =	rddreg [dreg:$0x4]  }
0x1d: {  	[tilespmem:s8], [sflag:$0x1] =	stream.linear.gather [hbm4b:s0+s3], $0x6000, $0x38;
	[tilespmem:$0xE100] =	vst v63  }
0x1e: {  	s15 =	rddreg [dreg:$0x5]  }
0x1f: {  	[tilespmem:s9], [sflag:$0x2] =	stream.linear.gather [hbm4b:s15+s3], $0x6000, $0x38;
	[tilespmem:$0xE100] =	vst v63  }
0x20: {  	s0 =	rddreg [dreg:$0x6]  }
0x21: {  	[tilespmem:s10], [sflag:$0x3] =	stream.linear.gather [hbm4b:s0+s3], $0x1000, $0x38;
	[tilespmem:$0xE100] =	vst v63  }
0x22: {  	s15 =	rddreg [dreg:$0x7]  }
0x23: {  	[tilespmem:s11], [sflag:$0x3] =	stream.linear.gather [hbm4b:s15+s3], $0x1000, $0x38;
	[tilespmem:$0xE100] =	vst v63  }
0x24: {  	s0 =	rddreg [dreg:$0x8]  }
0x25: {  	[tilespmem:s3], [sflag:$0x4] =	stream.linear.gather [hbm4b:s0+s3], $0x20, $0x38;
	[tilespmem:$0xE100] =	vst v63  }
0x26: {  	_ =	swait.ge [sflag:s12], $0x20  }
0x27: {  	[sflag:s12] =	ssyncset.done $0x0  }
0x28: {  	s15 =	rddreg [dreg:$0x9];
	[sflag:s12] =	ssyncadd.s32 $0xFFFFFFE0  }
0x29: {  	[tilespmem:s13], [sflag:$0x4] =	stream.linear.gather [hbm4b:s15+s3], $0x20, $0x38;
	[tilespmem:$0xE100] =	vst v63  }
0x2a: {  	_ =	swait.ge [sflag:s12], $0x20  }
0x2b: {  	[sflag:s12] =	ssyncset.done $0x0  }
0x2c: {  	[sflag:s12] =	ssyncadd.s32 $0xFFFFFFE0  }
0x2d: {  	_ =	swait.ge [sflag:s14], $0x6000  }
0x2e: {  	[sflag:s14] =	ssyncset.done $0x0  }
0x2f: {  	[sflag:s14] =	ssyncadd.s32 $0xFFFFA000  }
0x30: {  	v3 =	vld [tilespmem:$0x0];
	_ =	sdelay $0x4  }
0x31: {  	v4 =	vshrl.u32 v3, $0x3  }
0x32: {  	v4 =	vmul.u32 $0x30, v4  }
0x33: {  	v3 =	vand.u32 $0x7, v3  }
0x34: {  	v3 =	vor.u32 v3, v4  }
0x35: {  	v4 =	vperm.xlane v3, v0;
	_ =	sdelay $0x1  }
0x36: {  	v4 =	vadd.s32 v1, v4;
	_ =	sdelay $0x3  }
0x37: {  	v3 =	vperm.xlane v3, v2  }
0x38: {  	[hbm4b:s4+s3] =	stream.indirect_vreg.scatter [tilespmem:s8], [sflag:$0x1], $0x80, v4, vm0, $0xb8;
	[tilespmem:$0xE100] =	vst v63  }
0x39: {  	s0 =	rddreg [dreg:$0xa];
	v3 =	vadd.s32 v1, v3  }
0x3a: {  	[hbm4b:s5+s3] =	stream.indirect_vreg.scatter [tilespmem:s0], [sflag:$0x1], $0x80, v4, vm0, $0xb8;
	[tilespmem:$0xE100] =	vst v63  }
0x3b: {  	s15 =	rddreg [dreg:$0xb]  }
0x3c: {  	[hbm4b:s6+s3] =	stream.indirect_vreg.scatter [tilespmem:s15], [sflag:$0x1], $0x80, v4, vm0, $0xb8;
	[tilespmem:$0xE100] =	vst v63  }
0x3d: {  	s0 =	rddreg [dreg:$0xc]  }
0x3e: {  	[hbm4b:s4+s3] =	stream.indirect_vreg.scatter [tilespmem:s0], [sflag:$0x1], $0x80, v3, vm0, $0xb8;
	[tilespmem:$0xE100] =	vst v63  }
0x3f: {  	s15 =	rddreg [dreg:$0xd]  }
0x40: {  	[hbm4b:s5+s3] =	stream.indirect_vreg.scatter [tilespmem:s15], [sflag:$0x1], $0x80, v3, vm0, $0xb8;
	[tilespmem:$0xE100] =	vst v63  }
0x41: {  	s0 =	rddreg [dreg:$0xe]  }
0x42: {  	[hbm4b:s6+s3] =	stream.indirect_vreg.scatter [tilespmem:s0], [sflag:$0x1], $0x80, v3, vm0, $0xb8;
	[tilespmem:$0xE100] =	vst v63  }
0x43: {  	v3 =	vld [tilespmem:$0x10];
	_ =	sdelay $0x4  }
0x44: {  	v61 =	vshrl.u32 v3, $0x3  }
0x45: {  	v4 =	vmul.u32 $0x30, v61  }
0x46: {  	v3 =	vand.u32 $0x7, v3  }
0x47: {  	v3 =	vor.u32 v3, v4  }
0x48: {  	v4 =	vperm.xlane v3, v0;
	_ =	sdelay $0x1  }
0x49: {  	v4 =	vadd.s32 v1, v4;
	_ =	sdelay $0x3  }
0x4a: {  	s0 =	rddreg [dreg:$0xf];
	v3 =	vperm.xlane v3, v2  }
0x4b: {  	[hbm4b:s4+s3] =	stream.indirect_vreg.scatter [tilespmem:s0], [sflag:$0x1], $0x80, v4, vm0, $0xb8;
	[tilespmem:$0xE100] =	vst v63  }
0x4c: {  	s15 =	rddreg [dreg:$0x10];
	v3 =	vadd.s32 v1, v3  }
0x4d: {  	[hbm4b:s5+s3] =	stream.indirect_vreg.scatter [tilespmem:s15], [sflag:$0x1], $0x80, v4, vm0, $0xb8;
	[tilespmem:$0xE100] =	vst v63  }
0x4e: {  	s0 =	rddreg [dreg:$0x11]  }
0x4f: {  	[hbm4b:s6+s3] =	stream.indirect_vreg.scatter [tilespmem:s0], [sflag:$0x1], $0x80, v4, vm0, $0xb8;
	[tilespmem:$0xE100] =	vst v63  }
0x50: {  	s15 =	simm.s32 $0x4900  }
0x51: {  	[hbm4b:s4+s3] =	stream.indirect_vreg.scatter [tilespmem:s15], [sflag:$0x1], $0x80, v3, vm0, $0xb8;
	[tilespmem:$0xE100] =	vst v63  }
0x52: {  	_ = 	snop  }
0x53: {  	[hbm4b:s5+s3] =	stream.indirect_vreg.scatter [tilespmem:s16], [sflag:$0x1], $0x80, v3, vm0, $0xb8;
	[tilespmem:$0xE100] =	vst v63  }
0x54: {  	_ = 	snop  }
0x55: {  	[hbm4b:s6+s3] =	stream.indirect_vreg.scatter [tilespmem:s17], [sflag:$0x1], $0x80, v3, vm0, $0xb8;
	[tilespmem:$0xE100] =	vst v63  }
0x56: {  	_ =	swait.ge [sflag:s18], $0x6000  }
0x57: {  	[sflag:s18] =	ssyncset.done $0x0  }
0x58: {  	[sflag:s18] =	ssyncadd.s32 $0xFFFFA000  }
0x59: {  	v3 =	vld [tilespmem:$0x80];
	_ =	sdelay $0x4  }
0x5a: {  	v62 =	vshrl.u32 v3, $0x3  }
0x5b: {  	v4 =	vmul.u32 $0x30, v62  }
0x5c: {  	v3 =	vand.u32 $0x7, v3  }
0x5d: {  	v3 =	vor.u32 v3, v4  }
0x5e: {  	v4 =	vperm.xlane v3, v0;
	_ =	sdelay $0x1  }
0x5f: {  	v4 =	vadd.s32 v1, v4;
	_ =	sdelay $0x3  }
0x60: {  	v3 =	vperm.xlane v3, v2  }
0x61: {  	[hbm4b:s4+s3] =	stream.indirect_vreg.scatter [tilespmem:s9], [sflag:$0x2], $0x80, v4, vm0, $0xb8;
	[tilespmem:$0xE100] =	vst v63  }
0x62: {  	v3 =	vadd.s32 v1, v3  }
0x63: {  	[hbm4b:s5+s3] =	stream.indirect_vreg.scatter [tilespmem:s19], [sflag:$0x2], $0x80, v4, vm0, $0xb8;
	[tilespmem:$0xE100] =	vst v63  }
0x64: {  	_ = 	snop  }
0x65: {  	[hbm4b:s6+s3] =	stream.indirect_vreg.scatter [tilespmem:s20], [sflag:$0x2], $0x80, v4, vm0, $0xb8;
	[tilespmem:$0xE100] =	vst v63  }
0x66: {  	_ = 	snop  }
0x67: {  	[hbm4b:s4+s3] =	stream.indirect_vreg.scatter [tilespmem:s21], [sflag:$0x2], $0x80, v3, vm0, $0xb8;
	[tilespmem:$0xE100] =	vst v63  }
0x68: {  	_ = 	snop  }
0x69: {  	[hbm4b:s5+s3] =	stream.indirect_vreg.scatter [tilespmem:s22], [sflag:$0x2], $0x80, v3, vm0, $0xb8;
	[tilespmem:$0xE100] =	vst v63  }
0x6a: {  	_ = 	snop  }
0x6b: {  	[hbm4b:s6+s3] =	stream.indirect_vreg.scatter [tilespmem:s23], [sflag:$0x2], $0x80, v3, vm0, $0xb8;
	[tilespmem:$0xE100] =	vst v63  }
0x6c: {  	v3 =	vld [tilespmem:$0x90];
	_ =	sdelay $0x4  }
0x6d: {  	v63 =	vshrl.u32 v3, $0x3  }
0x6e: {  	v4 =	vmul.u32 $0x30, v63  }
0x6f: {  	v3 =	vand.u32 $0x7, v3  }
0x70: {  	v3 =	vor.u32 v3, v4  }
0x71: {  	v4 =	vperm.xlane v3, v0;
	_ =	sdelay $0x1  }
0x72: {  	v4 =	vadd.s32 v1, v4;
	_ =	sdelay $0x3  }
0x73: {  	v3 =	vperm.xlane v3, v2  }
0x74: {  	[hbm4b:s4+s3] =	stream.indirect_vreg.scatter [tilespmem:s24], [sflag:$0x2], $0x80, v4, vm0, $0xb8;
	[tilespmem:$0xE100] =	vst v63  }
0x75: {  	v3 =	vadd.s32 v1, v3  }
0x76: {  	[hbm4b:s5+s3] =	stream.indirect_vreg.scatter [tilespmem:s25], [sflag:$0x2], $0x80, v4, vm0, $0xb8;
	[tilespmem:$0xE100] =	vst v63  }
0x77: {  	_ = 	snop  }
0x78: {  	[hbm4b:s6+s3] =	stream.indirect_vreg.scatter [tilespmem:s26], [sflag:$0x2], $0x80, v4, vm0, $0xb8;
	[tilespmem:$0xE100] =	vst v63  }
0x79: {  	_ = 	snop  }
0x7a: {  	[hbm4b:s4+s3] =	stream.indirect_vreg.scatter [tilespmem:s28], [sflag:$0x2], $0x80, v3, vm0, $0xb8;
	[tilespmem:$0xE100] =	vst v63  }
0x7b: {  	_ = 	snop  }
0x7c: {  	[hbm4b:s5+s3] =	stream.indirect_vreg.scatter [tilespmem:s29], [sflag:$0x2], $0x80, v3, vm0, $0xb8;
	[tilespmem:$0xE100] =	vst v63  }
0x7d: {  	_ = 	snop  }
0x7e: {  	[hbm4b:s6+s3] =	stream.indirect_vreg.scatter [tilespmem:s30], [sflag:$0x2], $0x80, v3, vm0, $0xb8;
	[tilespmem:$0xE100] =	vst v63  }
0x7f: {  	_ =	swait.ge [sflag:s31], $0x1000  }
0x80: {  	[sflag:s31] =	ssyncset.done $0x0  }
0x81: {  	[sflag:s31] =	ssyncadd.s32 $0xFFFFF000  }
0x82: {  	_ =	swait.ge [sflag:s31], $0x1000  }
0x83: {  	[sflag:s31] =	ssyncset.done $0x0  }
0x84: {  	[sflag:s31] =	ssyncadd.s32 $0xFFFFF000  }
0x85: {  	[hbm4b:s2+s1] =	stream.indirect.scatter [tilespmem:s10], [sflag:$0x3], $0x80, s3, s1, $0xb8;
	[tilespmem:$0xE100] =	vst v63  }
0x86: {  	_ = 	snop  }
0x87: {  	[hbm4b:s2+s1] =	stream.indirect.scatter [tilespmem:s11], [sflag:$0x3], $0x80, s13, s1, $0xb8;
	[tilespmem:$0xE100] =	vst v63  }
0x88: {  	_ =	swait.ge [sflag:s14], $0x6000  }
0x89: {  	[sflag:s14] =	ssyncset.done $0x0  }
0x8a: {  	[sflag:s14] =	ssyncadd.s32 $0xFFFFA000  }
0x8b: {  	_ =	swait.ge [sflag:s18], $0x6000  }
0x8c: {  	[sflag:s18] =	ssyncset.done $0x0  }
0x8d: {  	[sflag:s18] =	ssyncadd.s32 $0xFFFFA000  }
0x8e: {  	p0 =	sne.s32 s7, $0x1;
	_ =	swait.ge [sflag:s31], $0x1000  }
.Ltmp0:
0x8f: {  	[sflag:s31] =	ssyncset.done $0x0;
	(pc) =	sbr.rel @p0 .LBB2_1-.Ltmp0, $4  }
0x90: {  	[sflag:s31] =	ssyncadd.s32 $0xFFFFF000  }
0x91: {  	_ =	swait.ge [sflag:s31], $0x1000  }
0x92: {  	[sflag:s31] =	ssyncset.done $0x0  }
0x93: {  	s7 =	sadd.s32 $0xFFFFFFFF, s7;
	[sflag:s31] =	ssyncadd.s32 $0xFFFFF000  }
0x94: {  	_ =	sfence.sel $0x180000  }
0x95: {  	[bflag:$0x0] =	sbarrier.arrive $0xFFFF  }
0x96: {  	_ =	strace $0x90000047  }
0x97: {  	s0 =	stileid.u32;
	[bflag:$0x2] =	sbarrier.arrive $0xFFFF  }
0x98: {  	p0 =	sne.s32 s0, $0x0;
	s0 =	rddreg [dreg:$0x3]  }
0x99: {  	s0 =	sadd.s32 @!p0 $0x100000, s0  }
0x9a: {  	[sflag:s0] =	ssyncadd.tile.s32 @!p0 $0x1;
	_ =	shalt  }
.Lfunc_end2:
_tile_overlayer_lowered:
.L_overlay_start_2:
0x9b: {  	(tag) =	ssettag $0x2  }
0x9c: {  	s0 =	rddreg [dreg:$0x0];
	s2 =	stileid.u32  }
0x9d: {  	s1 =	rddreg [dreg:$0x1];
	p0 =	sne.s32 s2, $0x0  }
0x9e: {  	s3 =	rddreg [dreg:$0x2];
	[bflag:$0x3] =	sbarrier.arrive $0xFFFF;
	s2 =	simm.s32 @!p0 $0x1C04  }
0x9f: {  	[timem:s3], [sflag:s2] =	dma.local @!p0 [hbm:s0], s1  }
0xa0: {  	s0 =	simm.s32 @!p0 $0x4  }
0xa1: {  	_ =	swait.ge @!p0 [sflag:s0], s1  }
0xa2: {  	s1 =	ssub.s32 @!p0 $0x0, s1;
	[sflag:s0] =	ssyncset.done @!p0 $0x0  }
0xa3: {  	[sflag:s0] =	ssyncadd.s32 @!p0 s1  }
0xa4: {  	[bflag:$0x3] =	sbarrier.arrive $0xFFFF  }
0xa5: {  	_ =	shalt  }

// kernel: kernel.9.cloned.1.call-start
scs
__scs_entry_jumppad:
0x0: {  	(pc) =	sbr.rel $0x88, $3  }
0x1: {  	(tag) =	ssettag $0x0;
	lr =	simm.s32 $0x1  }
0x2: {  	[smem:$0x3F9C] =	sst lr;
	_ =	strace $0xD0000000  }
0x3: {  	_ = 	snop  }
0x4: {  	_ = 	snop  }
0x5: {  	_ = 	snop  }
0x6: {  	_ = 	snop  }
0x7: {  	_ = 	snop  }
__scs_overlays_trampoline_lowered:
0x8: {  	[smem:$0x3FAB] =	sst s0  }
0x9: {  	[smem:$0x3FAC] =	sst s1  }
0xa: {  	[smem:$0x3FAD] =	sst s2  }
0xb: {  	[smem:$0x3FAE] =	sst s3  }
0xc: {  	[smem:$0x3FAF] =	sst s4  }
0xd: {  	[smem:$0x3FB0] =	sst s5  }
0xe: {  	[smem:$0x3FB1] =	sst s6  }
0xf: {  	[smem:$0x3FB2] =	sst s7  }
0x10: {  	[smem:$0x3FB3] =	sst s8  }
0x11: {  	[smem:$0x3FB4] =	sst s9;
	s0 =	simm.s32 @!p0 $0x0  }
0x12: {  	s1 =	sld [smem:$0x3F9A];
	s0 =	simm.s32 @p0 $0x1  }
0x13: {  	[smem:$0x3FB5] =	sst s0;
	s0 =	simm.s32 @!p1 $0x0  }
0x14: {  	s2 =	sld [smem:$0x3F99];
	s0 =	simm.s32 @p1 $0x1  }
0x15: {  	[smem:$0x3FB6] =	sst s0;
	s0 =	simm.s32 @!p2 $0x0  }
0x16: {  	s3 =	sld [smem:$0x3FDB];
	s0 =	simm.s32 @p2 $0x1  }
0x17: {  	s4 =	simm.s32 $0x1BF5;
	[smem:$0x3FB8] =	sst s0  }
0x18: {  	s0 =	sld [smem:$0x3F9B];
	_ =	swait.ge [sflag:s4], $0x0  }
0x19: {  	s7 =	sld [smem:$0x3F9C]  }
0x1a: {  	s8 =	sadd.s32 $0xFFFFE003, lr  }
0x1b: {  	s9 =	sadd.s32 $0xFFFFFEF7, lr;
	s5 =	simm.s32 $0xFFFFFFFF;
	p2 =	slt.u32 s8, $0xFFFFF086  }
0x1c: {  	p1 =	slt.u32 s9, $0xF7A;
	s5 =	simm.s32 @!p2 $0x0  }
0x1d: {  	s5 =	simm.s32 @p1 $0x1;
	p0 =	seq.s32 s7, s2  }
0x1e: {  	s7 =	smul.u32 @!p0 $0xF7A, s2;
	p2 =	seq.s32 @!p0 s5, $0x0  }
0x1f: {  	s9 =	smul.u32 $0xF7A, s1;
	s8 =	simm.s32 @!p0 $0x1BF5;
	p2 =	por !p2, p0  }
0x20: {  	[sflag:s8] =	ssyncset.s32 @!p0 $0xFFFFF086;
	s6 =	sadd.s32 @!p0 s3, s7;
	s7 =	simm.s32 @!p0 $0x108  }
0x21: {  	s3 =	sadd.s32 s3, s9;
	s6 =	sadd.s32 @!p0 $0x88, s6;
	s7 =	simm.s32 @p2 $0x1082  }
0x22: {  	[simem:s7], [sflag:s8] =	dma.local @!p0 [hbm:s6], $0xF7A  }
0x23: {  	s9 =	sor.u32 $0xD0000000, s2;
	s6 =	simm.s32 $0x108;
	_ =	swait.ge @!p0 [sflag:s8], $0x0  }
0x24: {  	s3 =	sadd.s32 $0x88, s3;
	s6 =	simm.s32 @!p1 $0x1082;
	[sflag:s4] =	ssyncset.s32 $0xFFFFF086  }
0x25: {  	[simem:s6], [sflag:s4] =	dma.local [hbm:s3], $0xF7A  }
0x26: {  	[smem:$0x3F9C] =	sst s1;
	(tag) =	ssettag s2;
	_ =	strace s9  }
0x27: {  	s1 =	sld [smem:$0x3FAC]  }
0x28: {  	s2 =	sld [smem:$0x3FAD]  }
0x29: {  	s4 =	sld [smem:$0x3FAF]  }
0x2a: {  	p0 =	seq.s32 s5, $0x0;
	s5 =	sld [smem:$0x3FB0]  }
0x2b: {  	s6 =	sld [smem:$0x3FB1]  }
0x2c: {  	s7 =	sld [smem:$0x3FB2]  }
0x2d: {  	s3 =	simm.s32 $0x108;
	s8 =	sld [smem:$0x3FB3]  }
0x2e: {  	s3 =	simm.s32 @!p0 $0x1082;
	s9 =	sld [smem:$0x3FB4]  }
0x2f: {  	lr =	sadd.s32 s0, s3;
	s0 =	sld [smem:$0x3FAB]  }
0x30: {  	s3 =	sld [smem:$0x3FAE]  }
0x31: {  	[smem:$0x3FB7] =	sst s10  }
0x32: {  	s10 =	sld [smem:$0x3FB5];
	_ =	sdelay $0x3  }
0x33: {  	p0 =	seq.s32 s10, $0x1;
	s10 =	sld [smem:$0x3FB7];
	_ =	sdelay $0x3  }
0x34: {  	[smem:$0x3FB7] =	sst s10  }
0x35: {  	s10 =	sld [smem:$0x3FB6];
	_ =	sdelay $0x3  }
0x36: {  	p1 =	seq.s32 s10, $0x1;
	s10 =	sld [smem:$0x3FB7];
	_ =	sdelay $0x3  }
0x37: {  	[smem:$0x3FB7] =	sst s10  }
0x38: {  	s10 =	sld [smem:$0x3FB8]  }
0x39: {  	_ = 	snop;
	(pc) =	sbr.ind lr, $3  }
0x3a: {  	_ = 	snop  }
0x3b: {  	_ = 	snop  }
0x3c: {  	p2 =	seq.s32 s10, $0x1;
	s10 =	sld [smem:$0x3FB7]  }
0x3d: {  	_ =	shalt  }
0x3e: {  	_ =	shalt  }
0x3f: {  	_ =	shalt  }
0x40: {  	_ =	shalt  }
0x41: {  	_ =	shalt  }
0x42: {  	_ =	shalt  }
0x43: {  	_ =	shalt  }
0x44: {  	_ =	shalt  }
0x45: {  	_ =	shalt  }
0x46: {  	_ =	shalt  }
0x47: {  	_ =	shalt  }
0x48: {  	_ =	shalt  }
0x49: {  	_ =	shalt  }
0x4a: {  	_ =	shalt  }
0x4b: {  	_ =	shalt  }
0x4c: {  	_ =	shalt  }
0x4d: {  	_ =	shalt  }
0x4e: {  	_ =	shalt  }
0x4f: {  	_ =	shalt  }
0x50: {  	_ =	shalt  }
0x51: {  	_ =	shalt  }
0x52: {  	_ =	shalt  }
0x53: {  	_ =	shalt  }
0x54: {  	_ =	shalt  }
0x55: {  	_ =	shalt  }
0x56: {  	_ =	shalt  }
0x57: {  	_ =	shalt  }
0x58: {  	_ =	shalt  }
0x59: {  	_ =	shalt  }
0x5a: {  	_ =	shalt  }
0x5b: {  	_ =	shalt  }
0x5c: {  	_ =	shalt  }
0x5d: {  	_ =	shalt  }
0x5e: {  	_ =	shalt  }
0x5f: {  	_ =	shalt  }
0x60: {  	_ =	shalt  }
0x61: {  	_ =	shalt  }
0x62: {  	_ =	shalt  }
0x63: {  	_ =	shalt  }
0x64: {  	_ =	shalt  }
0x65: {  	_ =	shalt  }
0x66: {  	_ =	shalt  }
0x67: {  	_ =	shalt  }
0x68: {  	_ =	shalt  }
0x69: {  	_ =	shalt  }
0x6a: {  	_ =	shalt  }
0x6b: {  	_ =	shalt  }
0x6c: {  	_ =	shalt  }
0x6d: {  	_ =	shalt  }
0x6e: {  	_ =	shalt  }
0x6f: {  	_ =	shalt  }
0x70: {  	_ =	shalt  }
0x71: {  	_ =	shalt  }
0x72: {  	_ =	shalt  }
0x73: {  	_ =	shalt  }
0x74: {  	_ =	shalt  }
0x75: {  	_ =	shalt  }
0x76: {  	_ =	shalt  }
0x77: {  	_ =	shalt  }
0x78: {  	_ =	shalt  }
0x79: {  	_ =	shalt  }
0x7a: {  	_ =	shalt  }
0x7b: {  	_ =	shalt  }
0x7c: {  	_ =	shalt  }
0x7d: {  	_ =	shalt  }
0x7e: {  	_ =	shalt  }
0x7f: {  	_ =	shalt  }
0x80: {  	_ =	shalt  }
0x81: {  	_ =	shalt  }
0x82: {  	_ =	shalt  }
0x83: {  	_ =	shalt  }
0x84: {  	_ =	shalt  }
0x85: {  	_ =	shalt  }
0x86: {  	_ =	shalt  }
0x87: {  	_ =	shalt  }
.Lfunc_end0:
.L_simem_size_0:
called_computation.1_lowered:
.L_overlay_start_0:
0x88: {  	s2 =	sld [smem:$0x3FD9]  }
0x89: {  	s3 =	sld [smem:$0x3FFE];
	_ =	sdelay $0x1  }
0x8a: {  	s1 =	srdreg.scid  }
0x8b: {  	s0 =	sand.u32 $0x1, s1  }
0x8c: {  	s17 =	sshll.u32 s0, $0xA;
	s2 =	sadd.s32 s3, s2  }
0x8d: {  	s2 =	sadd.s32 s2, s17  }
0x8e: {  	[smem:$0x3FC3] =	sst s2  }
0x8f: {  	_ = 	snop  }
0x90: {  	s2 =	sld [smem:$0x3FD0];
	(tm) =	ssettm $0x1  }
0x91: {  	s18 =	sld [smem:$0x3FFB];
	_ =	sdelay $0x3  }
0x92: {  	_ =	strace s18  }
0x93: {  	s3 =	sld [smem:$0x3FFC];
	_ =	sdelay $0x3  }
0x94: {  	_ =	strace s3  }
0x95: {  	s3 =	sld [smem:$0x3FFD];
	_ =	sdelay $0x3  }
0x96: {  	_ =	strace s3  }
0x97: {  	_ =	strace $0x8FFFFFFF  }
0x98: {  	s19 =	sld [smem:$0x3FDB];
	_ =	sdelay $0x1  }
0x99: {  	s4 =	simm.s32 $_scs_section_size  }
0x9a: {  	s5 =	simm.s32 $_size__tile_overlayer_lowered;
	s6 =	simm.s32 $_tile_overlayer_lowered  }
0x9b: {  	s22 =	simm.s32 $0x1BFF;
	s21 =	sshll.u32 s6, $0x1;
	s3 =	sadd.s32 s4, s19  }
0x9c: {  	s7 =	simm.s32 $0x0;
	s20 =	sshll.u32 s5, $0x1;
	s5 =	sadd.s32 s21, s3  }
0x9d: {  	[timem:s7], [sflag:s22] =	dma.local [hbm:s5], s20  }
0x9e: {  	_ =	swait.ge [sflag:s22], s20  }
0x9f: {  	s4 =	ssub.s32 $0x0, s20;
	[sflag:s22] =	ssyncset.done $0x0  }
0xa0: {  	[sflag:s22] =	ssyncadd.s32 s4;
	_ =	sdelay $0x1  }
0xa1: {  	s23 =	simm.s32 $0x1B8B  }
0xa2: {  	_ =	swait.ge [sflag:s23], $0x1  }
0xa3: {  	[sflag:s23] =	ssyncset.done $0x0  }
0xa4: {  	s25 =	simm.s32 $0x1B8E;
	s24 =	sld [smem:$0x3FFE];
	[sflag:s23] =	ssyncadd.s32 $0xFFFFFFFF  }
0xa5: {  	s26 =	simm.s32 $execute0_lowered;
	[smem:$0x3FD2] =	sst s25  }
0xa6: {  	s5 =	sshll.u32 s26, $0x1;
	_ =	strace $0x80000049;
	[dreg:$0x1] =	wrdreg $0xFFFFFFFF  }
0xa7: {  	s28 =	simm.s32 $_size_execute0_lowered;
	s3 =	sadd.s32 s3, s5;
	[dreg:$0x0] =	wrdreg $0x0  }
0xa8: {  	s5 =	sshll.u32 s28, $0x1;
	[dreg:$0x2] =	wrdreg s3  }
0xa9: {  	[dreg:$0x3] =	wrdreg s5  }
0xaa: {  	[dreg:$0x4] =	wrdreg $0xC0  }
0xab: {  	_ =	task [dreg:s7], $0x5FFFF  }
0xac: {  	[dreg:$0x1] =	wrdreg $0xFFFFFFFF  }
0xad: {  	[dreg:$0x0] =	wrdreg $0x60  }
0xae: {  	[dreg:$0x2] =	wrdreg s24  }
0xaf: {  	[dreg:$0x3] =	wrdreg s2  }
0xb0: {  	[dreg:$0x4] =	wrdreg $0x9  }
0xb1: {  	_ =	task.clear_ibuf [dreg:s7], $0x5FFFF;
	_ =	strace $0x90000049  }
0xb2: {  	s29 =	simm.s32 $0x9;
	_ =	strace $0x8000004B  }
0xb3: {  	_ =	swait.ge [sflag:s29], $0x1  }
0xb4: {  	[sflag:s29] =	ssyncadd.s32 $0xFFFFFFFF  }
0xb5: {  	_ =	strace $0x9000004B  }
0xb6: {  	_ =	sfence  }
0xb7: {  	s30 =	sld [smem:$0x0];
	_ =	sdelay $0x2  }
0xb8: {  	s31 =	sshll.u32 s1, $0xD;
	s1 =	sshrl.u32 s1, $0x2  }
0xb9: {  	s3 =	sand.u32 $0x4000, s31;
	s1 =	sadd.s32 s1, s30  }
0xba: {  	s0 =	sor.u32 s3, s0;
	s1 =	sshll.u32 s1, $0x11  }
0xbb: {  	s0 =	sor.u32 s1, s0  }
0xbc: {  	s0 =	sadd.s32 $0x8F2B, s0  }
0xbd: {  	[sflag:s0] =	ssyncadd.remote.s32 $0x1  }
0xbe: {  	_ =	sfence.sel $0xFFFF  }
0xbf: {  	[dreg:$0x0] =	wrdreg $0xFFFFFFFF;
	(pc) =	sbr.abs _section_cstart, $3  }
0xc0: {  	[dreg:$0x1] =	wrdreg $0xFFFFFFFF  }
0xc1: {  	_ =	task.clear_ibuf [dreg:s7], $0x2FFFF;
	_ =	strace $0x9FFFFFFF  }
0xc2: {  	(tm) =	ssettm $0x7FFFFFFF  }
0xc3: {  	_ =	shalt  }
tec
execute0_lowered:
.L_overlay_start_1:
0x0: {  	(tag) =	ssettag $0x1  }
0x1: {  	s0 =	rddreg [dreg:$0x0]  }
0x2: {  	s6 =	rddreg [dreg:$0x1];
	s1 =	simm.s32 $0x0  }
0x3: {  	s2 =	srdreg.scid;
	s19 =	stileid.u32;
	s24 =	simm.s32 $0x900  }
0x4: {  	s25 =	simm.s32 $0x1100;
	s26 =	simm.s32 $0x1900;
	s11 =	simm.s32 $0x3100  }
0x5: {  	s12 =	simm.s32 $0x3900;
	s13 =	simm.s32 $0x4100;
	s14 =	simm.s32 $0x4900  }
0x6: {  	s15 =	simm.s32 $0x5100;
	s16 =	simm.s32 $0x5900;
	s17 =	simm.s32 $0x80  }
0x7: {  	s18 =	simm.s32 $0x6100;
	s28 =	simm.s32 $0xA900;
	s29 =	simm.s32 $0xB100  }
0x8: {  	s30 =	simm.s32 $0xB900;
	s31 =	simm.s32 $0x1;
	[smem:$0x7FF] =	sst s1  }
0x9: {  	s4 =	sand.u32 $0x1, s2;
	s3 =	sadd.s32 $0x1800, s0;
	s8 =	sshll.u32 s19, $0x4  }
0xa: {  	s9 =	sadd.s32 $0x1600, s0;
	_ =	strace $0x8000004A;
	[dreg:$0x7] =	wrdreg s24  }
0xb: {  	s19 =	simm.s32 $0x6900;
	s5 =	ssub.s32 $0x2, s4;
	[dreg:$0x8] =	wrdreg s25  }
0xc: {  	s4 =	sshll.u32 s4, $0x3;
	[dreg:$0x9] =	wrdreg s26;
	s24 =	simm.s32 $0x9100  }
0xd: {  	s25 =	simm.s32 $0x9900;
	s7 =	sshrl.u32 s5, $0x1;
	s4 =	sor.u32 s4, s8  }
0xe: {  	s26 =	simm.s32 $0xA100;
	s7 =	ssub.s32 s5, s7;
	s20 =	sadd.s32 s9, s4  }
0xf: {  	s8 =	sor.u32 $0x4, s4;
	s10 =	smul.u32 $0x300, s4;
	s4 =	sadd.s32 $0x1900, s0  }
0x10: {  	s5 =	sadd.s32 $0x1A00, s0;
	s0 =	simm.s32 $0x2;
	[dreg:$0x3] =	wrdreg s20  }
0x11: {  	s21 =	sadd.s32 s9, s8;
	s8 =	smul.u32 $0x300, s8;
	s20 =	simm.s32 $0x7100  }
0x12: {  	[dreg:$0x4] =	wrdreg s21;
	s22 =	sadd.s32 s6, s10;
	s10 =	simm.s32 $0x2900  }
0x13: {  	v2 =	vlaneseq.u32;
	s21 =	simm.s32 $0x7900;
	[dreg:$0x5] =	wrdreg s22;
	s23 =	sadd.s32 s6, s8  }
0x14: {  	vm0 =	vmmov $0xffff;
	v1 =	vshrl.u32 v2, $0x3;
	s6 =	smax.u32 s7, $0x1;
	s7 =	simm.s32 $0x3;
	s8 =	simm.s32 $0x100  }
0x15: {  	v0 =	vand.u32 $0x7, v2;
	v2 =	vor.u32 $0x8, v2;
	v1 =	vmul.u32 $0x8, v1;
	s22 =	simm.s32 $0x8100;
	[dreg:$0x6] =	wrdreg s23;
	s23 =	simm.s32 $0x8900  }
.LBB2_1:
0x16: {  	s2 =	rddreg [dreg:$0x3]  }
0x17: {  	[tilespmem:s1], [sflag:$0x3] =	stream.linear.gather [hbm4b:s2+s1], $0x20, $0x38;
	[tilespmem:$0xC100] =	vst v63  }
0x18: {  	_ =	swait.ge [sflag:s7], $0x20  }
0x19: {  	[sflag:s7] =	ssyncset.done $0x0  }
0x1a: {  	[sflag:s7] =	ssyncadd.s32 $0xFFFFFFE0  }
0x1b: {  	v3 =	vld [tilespmem:$0x0];
	_ =	sdelay $0x4  }
0x1c: {  	v4 =	vshrl.u32 v3, $0x3  }
0x1d: {  	v4 =	vmul.u32 $0x30, v4  }
0x1e: {  	v3 =	vand.u32 $0x7, v3  }
0x1f: {  	v3 =	vor.u32 v3, v4  }
0x20: {  	v4 =	vperm.xlane v3, v0;
	_ =	sdelay $0x1  }
0x21: {  	v4 =	vadd.s32 v1, v4;
	_ =	sdelay $0x3  }
0x22: {  	v3 =	vperm.xlane v3, v2  }
0x23: {  	[tilespmem:s8], [sflag:$0x1] =	stream.indirect_vreg.gather [hbm4b:s3+s1], $0x80, v4, vm0, $0xb8;
	[tilespmem:$0xC100] =	vst v63  }
0x24: {  	s2 =	rddreg [dreg:$0x7];
	v3 =	vadd.s32 v1, v3  }
0x25: {  	[tilespmem:s2], [sflag:$0x1] =	stream.indirect_vreg.gather [hbm4b:s4+s1], $0x80, v4, vm0, $0xb8;
	[tilespmem:$0xC100] =	vst v63  }
0x26: {  	s9 =	rddreg [dreg:$0x8]  }
0x27: {  	[tilespmem:s9], [sflag:$0x1] =	stream.indirect_vreg.gather [hbm4b:s5+s1], $0x80, v4, vm0, $0xb8;
	[tilespmem:$0xC100] =	vst v63  }
0x28: {  	s2 =	rddreg [dreg:$0x9]  }
0x29: {  	[tilespmem:s2], [sflag:$0x1] =	stream.indirect_vreg.gather [hbm4b:s3+s1], $0x80, v3, vm0, $0xb8;
	[tilespmem:$0xC100] =	vst v63  }
0x2a: {  	s9 =	simm.s32 $0x2100  }
0x2b: {  	[tilespmem:s9], [sflag:$0x1] =	stream.indirect_vreg.gather [hbm4b:s4+s1], $0x80, v3, vm0, $0xb8;
	[tilespmem:$0xC100] =	vst v63  }
0x2c: {  	_ = 	snop  }
0x2d: {  	[tilespmem:s10], [sflag:$0x1] =	stream.indirect_vreg.gather [hbm4b:s5+s1], $0x80, v3, vm0, $0xb8;
	[tilespmem:$0xC100] =	vst v63  }
0x2e: {  	v3 =	vld [tilespmem:$0x10];
	_ =	sdelay $0x4  }
0x2f: {  	v61 =	vshrl.u32 v3, $0x3  }
0x30: {  	v4 =	vmul.u32 $0x30, v61  }
0x31: {  	v3 =	vand.u32 $0x7, v3  }
0x32: {  	v3 =	vor.u32 v3, v4  }
0x33: {  	v4 =	vperm.xlane v3, v0;
	_ =	sdelay $0x1  }
0x34: {  	v4 =	vadd.s32 v1, v4;
	_ =	sdelay $0x3  }
0x35: {  	v3 =	vperm.xlane v3, v2  }
0x36: {  	[tilespmem:s11], [sflag:$0x1] =	stream.indirect_vreg.gather [hbm4b:s3+s1], $0x80, v4, vm0, $0xb8;
	[tilespmem:$0xC100] =	vst v63  }
0x37: {  	v3 =	vadd.s32 v1, v3  }
0x38: {  	[tilespmem:s12], [sflag:$0x1] =	stream.indirect_vreg.gather [hbm4b:s4+s1], $0x80, v4, vm0, $0xb8;
	[tilespmem:$0xC100] =	vst v63  }
0x39: {  	_ = 	snop  }
0x3a: {  	[tilespmem:s13], [sflag:$0x1] =	stream.indirect_vreg.gather [hbm4b:s5+s1], $0x80, v4, vm0, $0xb8;
	[tilespmem:$0xC100] =	vst v63  }
0x3b: {  	_ = 	snop  }
0x3c: {  	[tilespmem:s14], [sflag:$0x1] =	stream.indirect_vreg.gather [hbm4b:s3+s1], $0x80, v3, vm0, $0xb8;
	[tilespmem:$0xC100] =	vst v63  }
0x3d: {  	_ = 	snop  }
0x3e: {  	[tilespmem:s15], [sflag:$0x1] =	stream.indirect_vreg.gather [hbm4b:s4+s1], $0x80, v3, vm0, $0xb8;
	[tilespmem:$0xC100] =	vst v63  }
0x3f: {  	_ = 	snop  }
0x40: {  	[tilespmem:s16], [sflag:$0x1] =	stream.indirect_vreg.gather [hbm4b:s5+s1], $0x80, v3, vm0, $0xb8;
	[tilespmem:$0xC100] =	vst v63  }
0x41: {  	s9 =	rddreg [dreg:$0x4]  }
0x42: {  	[tilespmem:s17], [sflag:$0x3] =	stream.linear.gather [hbm4b:s9+s1], $0x20, $0x38;
	[tilespmem:$0xC100] =	vst v63  }
0x43: {  	_ =	swait.ge [sflag:s7], $0x20  }
0x44: {  	[sflag:s7] =	ssyncset.done $0x0  }
0x45: {  	[sflag:s7] =	ssyncadd.s32 $0xFFFFFFE0  }
0x46: {  	v3 =	vld [tilespmem:$0x80];
	_ =	sdelay $0x4  }
0x47: {  	v62 =	vshrl.u32 v3, $0x3  }
0x48: {  	v4 =	vmul.u32 $0x30, v62  }
0x49: {  	v3 =	vand.u32 $0x7, v3  }
0x4a: {  	v3 =	vor.u32 v3, v4  }
0x4b: {  	v4 =	vperm.xlane v3, v0;
	_ =	sdelay $0x1  }
0x4c: {  	v4 =	vadd.s32 v1, v4;
	_ =	sdelay $0x3  }
0x4d: {  	v3 =	vperm.xlane v3, v2  }
0x4e: {  	[tilespmem:s18], [sflag:$0x2] =	stream.indirect_vreg.gather [hbm4b:s3+s1], $0x80, v4, vm0, $0xb8;
	[tilespmem:$0xC100] =	vst v63  }
0x4f: {  	v3 =	vadd.s32 v1, v3  }
0x50: {  	[tilespmem:s19], [sflag:$0x2] =	stream.indirect_vreg.gather [hbm4b:s4+s1], $0x80, v4, vm0, $0xb8;
	[tilespmem:$0xC100] =	vst v63  }
0x51: {  	_ = 	snop  }
0x52: {  	[tilespmem:s20], [sflag:$0x2] =	stream.indirect_vreg.gather [hbm4b:s5+s1], $0x80, v4, vm0, $0xb8;
	[tilespmem:$0xC100] =	vst v63  }
0x53: {  	_ = 	snop  }
0x54: {  	[tilespmem:s21], [sflag:$0x2] =	stream.indirect_vreg.gather [hbm4b:s3+s1], $0x80, v3, vm0, $0xb8;
	[tilespmem:$0xC100] =	vst v63  }
0x55: {  	_ = 	snop  }
0x56: {  	[tilespmem:s22], [sflag:$0x2] =	stream.indirect_vreg.gather [hbm4b:s4+s1], $0x80, v3, vm0, $0xb8;
	[tilespmem:$0xC100] =	vst v63  }
0x57: {  	_ = 	snop  }
0x58: {  	[tilespmem:s23], [sflag:$0x2] =	stream.indirect_vreg.gather [hbm4b:s5+s1], $0x80, v3, vm0, $0xb8;
	[tilespmem:$0xC100] =	vst v63  }
0x59: {  	v3 =	vld [tilespmem:$0x90];
	_ =	sdelay $0x4  }
0x5a: {  	v63 =	vshrl.u32 v3, $0x3  }
0x5b: {  	v4 =	vmul.u32 $0x30, v63  }
0x5c: {  	v3 =	vand.u32 $0x7, v3  }
0x5d: {  	v3 =	vor.u32 v3, v4  }
0x5e: {  	v4 =	vperm.xlane v3, v0;
	_ =	sdelay $0x1  }
0x5f: {  	v4 =	vadd.s32 v1, v4;
	_ =	sdelay $0x3  }
0x60: {  	v3 =	vperm.xlane v3, v2  }
0x61: {  	[tilespmem:s24], [sflag:$0x2] =	stream.indirect_vreg.gather [hbm4b:s3+s1], $0x80, v4, vm0, $0xb8;
	[tilespmem:$0xC100] =	vst v63  }
0x62: {  	v3 =	vadd.s32 v1, v3  }
0x63: {  	[tilespmem:s25], [sflag:$0x2] =	stream.indirect_vreg.gather [hbm4b:s4+s1], $0x80, v4, vm0, $0xb8;
	[tilespmem:$0xC100] =	vst v63  }
0x64: {  	_ = 	snop  }
0x65: {  	[tilespmem:s26], [sflag:$0x2] =	stream.indirect_vreg.gather [hbm4b:s5+s1], $0x80, v4, vm0, $0xb8;
	[tilespmem:$0xC100] =	vst v63  }
0x66: {  	_ = 	snop  }
0x67: {  	[tilespmem:s28], [sflag:$0x2] =	stream.indirect_vreg.gather [hbm4b:s3+s1], $0x80, v3, vm0, $0xb8;
	[tilespmem:$0xC100] =	vst v63  }
0x68: {  	_ = 	snop  }
0x69: {  	[tilespmem:s29], [sflag:$0x2] =	stream.indirect_vreg.gather [hbm4b:s4+s1], $0x80, v3, vm0, $0xb8;
	[tilespmem:$0xC100] =	vst v63  }
0x6a: {  	_ = 	snop  }
0x6b: {  	[tilespmem:s30], [sflag:$0x2] =	stream.indirect_vreg.gather [hbm4b:s5+s1], $0x80, v3, vm0, $0xb8;
	[tilespmem:$0xC100] =	vst v63  }
0x6c: {  	_ =	swait.ge [sflag:s31], $0x6000  }
0x6d: {  	[sflag:s31] =	ssyncset.done $0x0  }
0x6e: {  	s9 =	rddreg [dreg:$0x5];
	[sflag:s31] =	ssyncadd.s32 $0xFFFFA000  }
0x6f: {  	[hbm4b:s9+s1] =	stream.linear.scatter [tilespmem:s8], [sflag:$0x1], $0x6000, $0x38;
	[tilespmem:$0xC100] =	vst v63  }
0x70: {  	_ =	swait.ge [sflag:s0], $0x6000  }
0x71: {  	[sflag:s0] =	ssyncset.done $0x0  }
0x72: {  	s9 =	rddreg [dreg:$0x6];
	[sflag:s0] =	ssyncadd.s32 $0xFFFFA000  }
0x73: {  	[hbm4b:s9+s1] =	stream.linear.scatter [tilespmem:s18], [sflag:$0x2], $0x6000, $0x38;
	[tilespmem:$0xC100] =	vst v63  }
0x74: {  	p0 =	sne.s32 s6, $0x1;
	_ =	swait.ge [sflag:s31], $0x6000  }
.Ltmp0:
0x75: {  	[sflag:s31] =	ssyncset.done $0x0;
	(pc) =	sbr.rel @p0 .LBB2_1-.Ltmp0, $4  }
0x76: {  	[sflag:s31] =	ssyncadd.s32 $0xFFFFA000  }
0x77: {  	_ =	swait.ge [sflag:s0], $0x6000  }
0x78: {  	[sflag:s0] =	ssyncset.done $0x0  }
0x79: {  	s6 =	sadd.s32 $0xFFFFFFFF, s6;
	[sflag:s0] =	ssyncadd.s32 $0xFFFFA000  }
0x7a: {  	_ =	sfence.sel $0x180000  }
0x7b: {  	[bflag:$0x0] =	sbarrier.arrive $0xFFFF  }
0x7c: {  	_ =	strace $0x9000004A  }
0x7d: {  	s0 =	stileid.u32;
	[bflag:$0x2] =	sbarrier.arrive $0xFFFF  }
0x7e: {  	p0 =	sne.s32 s0, $0x0;
	s0 =	rddreg [dreg:$0x2]  }
0x7f: {  	s0 =	sadd.s32 @!p0 $0x100000, s0  }
0x80: {  	[sflag:s0] =	ssyncadd.tile.s32 @!p0 $0x1;
	_ =	shalt  }
.Lfunc_end2:
_tile_overlayer_lowered:
.L_overlay_start_2:
0x81: {  	(tag) =	ssettag $0x2  }
0x82: {  	s0 =	rddreg [dreg:$0x0];
	s2 =	stileid.u32  }
0x83: {  	s1 =	rddreg [dreg:$0x1];
	p0 =	sne.s32 s2, $0x0  }
0x84: {  	s3 =	rddreg [dreg:$0x2];
	[bflag:$0x3] =	sbarrier.arrive $0xFFFF;
	s2 =	simm.s32 @!p0 $0x1C03  }
0x85: {  	[timem:s3], [sflag:s2] =	dma.local @!p0 [hbm:s0], s1  }
0x86: {  	s0 =	simm.s32 @!p0 $0x3  }
0x87: {  	_ =	swait.ge @!p0 [sflag:s0], s1  }
0x88: {  	s1 =	ssub.s32 @!p0 $0x0, s1;
	[sflag:s0] =	ssyncset.done @!p0 $0x0  }
0x89: {  	[sflag:s0] =	ssyncadd.s32 @!p0 s1  }
0x8a: {  	[bflag:$0x3] =	sbarrier.arrive $0xFFFF  }
0x8b: {  	_ =	shalt  }

</sc_bundles>
